<compile_context>
chip_gen: v7x
topology: tpu7x:2x2x1
jax: 0.10.2.dev20260603
libtpu: 0.0.44.dev20260713+nightly
codegen_flags: <defaults>
</compile_context>

<pallas_src>
import functools

import jax
import jax.numpy as jnp
from jax import lax
from jax.experimental import pallas as pl
from jax.experimental.pallas import tpu as pltpu
from jax.experimental.pallas import tpu_sc as plsc

N = 10000
E = 320000
D = 128
NG = D // 16
NC = 2
NS = 16
NW = NC * NS
EPW = E // NW
CE = 40
NCHUNK = EPW // CE
NCHT = E // CE
RCH = 40
NRCH = N // RCH
NRI = -(-NRCH // NS)


def _prep_body(h_ref, wt_ref, b_ref, a_ref, c_ref, p1_ref, p2_ref, m_ref, w_ref):
    h = h_ref[...]
    wt = wt_ref[...]
    p1 = lax.dot_general(h, wt[:D, :], (((1,), (0,)), ((), ())),
                         precision=lax.Precision.HIGHEST,
                         preferred_element_type=jnp.float32) + b_ref[...]
    p2 = lax.dot_general(h, wt[D:, :], (((1,), (0,)), ((), ())),
                         precision=lax.Precision.HIGHEST,
                         preferred_element_type=jnp.float32)
    p1_ref[...] = p1
    p2_ref[...] = p2
    m = jnp.maximum(jnp.max(p1, axis=0, keepdims=True)
                    + jnp.max(p2, axis=0, keepdims=True), 0.0)
    m_ref[...] = jnp.broadcast_to(m, (8, D))
    a = a_ref[...]
    c = c_ref[...]
    an = (a - jnp.min(a)) / (jnp.max(a) - jnp.min(a) + 1e-8)
    cn = (c - jnp.min(c)) / (jnp.max(c) - jnp.min(c) + 1e-8)
    w_ref[...] = 0.5 * an + 0.5 * cn


def _prep(h, wt, b2, am, cn):
    return pl.pallas_call(
        _prep_body,
        out_shape=[
            jax.ShapeDtypeStruct((N, D), jnp.float32),
            jax.ShapeDtypeStruct((N, D), jnp.float32),
            jax.ShapeDtypeStruct((8, D), jnp.float32),
            jax.ShapeDtypeStruct((E // D, D), jnp.float32),
        ],
    )(h, wt, b2, am, cn)


@functools.partial(
    pl.kernel,
    mesh=plsc.VectorSubcoreMesh(core_axis_name="c", subcore_axis_name="s"),
    out_type=[
        jax.ShapeDtypeStruct((NC, N, D), jnp.float32),
        jax.ShapeDtypeStruct((NW, 8, D), jnp.float32),
    ],
    scratch_types=[
        pltpu.VMEM((2, 2 * CE), jnp.int32),
        pltpu.VMEM((2, CE + 16), jnp.float32),
        pltpu.VMEM((2, CE), jnp.int32),
        pltpu.VMEM((2, CE, D), jnp.float32),
        pltpu.VMEM((2, CE, D), jnp.float32),
        pltpu.VMEM((2, CE, D), jnp.float32),
        pltpu.VMEM((2, CE, D), jnp.float32),
        pltpu.VMEM((D,), jnp.float32),
        pltpu.VMEM((D,), jnp.float32),
        pltpu.VMEM_SHARED((N, D), jnp.float32),
        pltpu.SemaphoreType.DMA,
        pltpu.SemaphoreType.DMA,
        pltpu.SemaphoreType.DMA,
        pltpu.SemaphoreType.DMA,
        pltpu.SemaphoreType.DMA,
    ],
)
def _sc_edge(p1_hbm, p2_hbm, h_hbm, adjp_hbm, w_hbm, m_hbm,
             agg_out, z_out,
             idx_v, w_v, s_idx, r1, r2, rh, ov, m_v, z_v, agg_sp,
             sem_g, sem_i0, sem_i1, sem_s0, sem_s1):
    cid = lax.axis_index("c")
    sid = lax.axis_index("s")
    wid = cid * NS + sid
    sem_i = (sem_i0, sem_i1)
    sem_s = (sem_s0, sem_s1)

    zero16 = jnp.zeros((16,), jnp.float32)

    def zrow(i, carry):
        for k in range(NG):
            ov[0, i, pl.ds(16 * k, 16)] = zero16
        return carry

    lax.fori_loop(0, RCH, zrow, 0)

    def zcopy(i, carry):
        c = sid + i * NS

        @pl.when(c < NRCH)
        def _():
            r0 = pl.multiple_of(c * RCH, 8)
            pltpu.sync_copy(ov.at[0], agg_sp.at[pl.ds(r0, RCH)])

        return carry

    lax.fori_loop(0, NRI, zcopy, 0)
    plsc.subcore_barrier()

    pltpu.sync_copy(m_hbm.at[0], m_v)
    mv = [m_v[pl.ds(16 * k, 16)] for k in range(NG)]

    base = wid * EPW
    gbase = wid * NCHUNK

    def fire_idx(c, b):
        ioff = pl.multiple_of((gbase + c) * 2 * CE, 8)
        pltpu.async_copy(adjp_hbm.at[pl.ds(ioff, 2 * CE)], idx_v.at[b], sem_i[b])

    def fire_w(c, b):
        woff = pl.multiple_of(base + c * CE, 8)
        pltpu.async_copy(w_hbm.at[pl.ds(woff, CE)],
                         w_v.at[b, pl.ds(0, CE)], sem_i[b])

    def wait_idx(b):
        ioff = 0
        pltpu.make_async_copy(adjp_hbm.at[pl.ds(ioff, 2 * CE)],
                              idx_v.at[b], sem_i[b]).wait()
        pltpu.make_async_copy(w_hbm.at[pl.ds(0, CE)],
                              w_v.at[b, pl.ds(0, CE)], sem_i[b]).wait()

    def fire_gathers(b):
        pltpu.async_copy(p1_hbm.at[idx_v.at[b, pl.ds(0, CE)]], r1.at[b], sem_g)
        pltpu.async_copy(p2_hbm.at[idx_v.at[b, pl.ds(CE, CE)]], r2.at[b], sem_g)

    def wait_gathers(b):
        pltpu.make_async_copy(p1_hbm.at[idx_v.at[b, pl.ds(0, CE)]],
                              r1.at[b], sem_g).wait()
        pltpu.make_async_copy(p2_hbm.at[idx_v.at[b, pl.ds(CE, CE)]],
                              r2.at[b], sem_g).wait()

    def wait_scatter(b):
        pltpu.make_async_copy(ov.at[b], agg_sp.at[s_idx.at[b]], sem_s[b]).wait()

    def compute(c2, b, zc):
        def edge(e, zcc):
            we = w_v[b, pl.ds(e, 16)][0]
            acc = list(zcc)
            for k2 in range(NG // 2):
                sl16 = pl.ds(16 * k2, 16)
                v1 = r1[b, e, sl16]
                v2 = r2[b, e, sl16]
                vh = rh[b, e, sl16]
                u1 = (plsc.bitcast(v1 << 16, jnp.float32),
                      plsc.bitcast(v1, jnp.float32))
                u2 = (plsc.bitcast(v2 << 16, jnp.float32),
                      plsc.bitcast(v2, jnp.float32))
                uh = (plsc.bitcast(vh << 16, jnp.float32),
                      plsc.bitcast(vh, jnp.float32))
                for t in range(2):
                    k = 2 * k2 + t
                    x = u1[t] + u2[t]
                    x = jnp.where(x >= 0.0, x, x * 0.01)
                    es = jnp.exp(x * we - mv[k])
                    ov[b, e, pl.ds(16 * k, 16)] = es * uh[t]
                    acc[k] = acc[k] + es
            return tuple(acc)

        return zc
        return lax.fori_loop(0, CE, edge, zc)

    fire_idx(0, 0)
    fire_w(0, 0)
    fire_idx(1, 1)
    fire_w(1, 1)
    wait_idx(0)
    fire_gathers(0)

    def phase(c2, b, zcar):
        c = 2 * c2 + b
        wait_gathers(b)

        if False:
            @pl.when(c2 > 0)
            def _():
                wait_scatter(b)

        for o in (0, 16, CE - 16):
            s_idx[b, pl.ds(o, 16)] = idx_v[b, pl.ds(o, 16)]

        @pl.when(c + 1 < NCHUNK)
        def _():
            wait_idx(1 - b)
            fire_gathers(1 - b)

        @pl.when(c + 2 < NCHUNK)
        def _():
            fire_idx(c + 2, b)

        zcar = compute(c2, b, zcar)

        @pl.when(c + 2 < NCHUNK)
        def _():
            fire_w(c + 2, b)

        return zcar

    def two_chunks(c2, zcar):
        zcar = phase(c2, 0, zcar)
        zcar = phase(c2, 1, zcar)
        return zcar

    zinit = tuple(jnp.zeros((16,), jnp.float32) for _ in range(NG))
    zcar = lax.fori_loop(0, NCHUNK // 2, two_chunks, zinit)

    for k in range(NG):
        z_v[pl.ds(16 * k, 16)] = zcar[k]
    pltpu.sync_copy(z_v, z_out.at[wid, 0])

    plsc.subcore_barrier()

    def ocopy(i, carry):
        c = sid + i * NS

        @pl.when(c < NRCH)
        def _():
            r0 = pl.multiple_of(c * RCH, 8)
            pltpu.sync_copy(agg_sp.at[pl.ds(r0, RCH)], ov.at[0])
            pltpu.sync_copy(ov.at[0], agg_out.at[cid, pl.ds(r0, RCH)])

        return carry

    lax.fori_loop(0, NRI, ocopy, 0)


def _fin_body(p_ref, z_ref, o_ref):
    z = jnp.sum(z_ref[:, 0, :], axis=0, keepdims=True)
    o_ref[...] = (p_ref[0] + p_ref[1]) / z


def _fin(parts, zparts):
    return pl.pallas_call(
        _fin_body,
        out_shape=jax.ShapeDtypeStruct((N, D), jnp.float32),
    )(parts, zparts)


def kernel(h, adj, amount, count, W, b):
    adjp = (adj.astype(jnp.int32).reshape(2, NCHT, CE)
            .transpose(1, 0, 2).reshape(2 * E))
    wt = W.T
    b2 = b.reshape(1, D)
    am = amount.reshape(E // D, D)
    cn = count.reshape(E // D, D)
    p1, p2, m8, w2 = _prep(h, wt, b2, am, cn)
    w = w2.reshape(E)

    parts, zparts = _sc_edge(p1, p2, h, adjp, w, m8)
    return _fin(parts, zparts)

# --- scband reference (transcript-rebuilt; emitter-appended) ---
"""Pipeline reference for scband-wgaanlayer-43121471652249 (READ-ONLY COPY).

The authoritative reference and input builder live on the scoring server;
editing this copy changes nothing except your own understanding.
"""

import jax, jax.numpy as jnp
import numpy as np

BETA = 0.5

def setup_inputs(seed: int = 0) -> dict:
    key = jax.random.key(seed)
    k1, k2, k3, k4, k5, k6 = jax.random.split(key, 6)
    N, E, D = 10000, 320000, 128
    h = jax.random.normal(k1, (N, D), dtype=jnp.float32)
    adj = jax.random.randint(k2, (2, E), 0, N, dtype=jnp.int64)
    amount = jax.random.uniform(k3, (E,), dtype=jnp.float32)
    count = jax.random.uniform(k4, (E,), dtype=jnp.float32)
    # nn.Linear(2*in_features, out_features): W [out, 2*in], b [out]
    lim = 1.0 / np.sqrt(2 * D)
    W = jax.random.uniform(k5, (D, 2 * D), dtype=jnp.float32, minval=-lim, maxval=lim)
    b = jax.random.uniform(k6, (D,), dtype=jnp.float32, minval=-lim, maxval=lim)
    return {"h": h, "adj": adj, "amount": amount, "count": count, "W": W, "b": b}

def reference(h, adj, amount, count, W, b):
    amount_norm = (amount - amount.min()) / (amount.max() - amount.min() + 1e-08)
    count_norm = (count - count.min()) / (count.max() - count.min() + 1e-08)
    edge_weight = BETA * amount_norm + (1.0 - BETA) * count_norm
    h_i = jnp.take(h, adj[0], axis=0)
    h_j = jnp.take(h, adj[1], axis=0)
    h_cat = jnp.concatenate([h_i, h_j], axis=1)
    score = jax.nn.leaky_relu(h_cat @ W.T + b, negative_slope=0.01) * edge_weight[:, None]
    attention = jax.nn.softmax(score, axis=0)
    agg = jnp.zeros_like(h).at[adj[0]].add(attention * h_j)
    return agg

if __name__ == "__main__":
    import jax
    _d = setup_inputs()
    print(jax.jit(kernel)(*tuple(_d.values())))

</pallas_src>

<mosaic_0001>
#map = affine_map<(d0, d1) -> (0, 0)>
#map1 = affine_map<(d0, d1) -> (0)>
#map2 = affine_map<(d0, d1) -> (0, 0, 0)>
module attributes {stable_mosaic.version = 14 : i64} {
  func.func @_sc_edge(%arg0: i32, %arg1: i32, %arg2: memref<10000x128xf32, #tpu.memory_space<hbm>>, %arg3: memref<10000x128xf32, #tpu.memory_space<hbm>>, %arg4: memref<10000x128xf32, #tpu.memory_space<hbm>>, %arg5: memref<640000xi32, #tpu.memory_space<hbm>>, %arg6: memref<320000xf32, #tpu.memory_space<hbm>>, %arg7: memref<8x128xf32, #tpu.memory_space<hbm>>, %arg8: memref<2x10000x128xf32, #tpu.memory_space<hbm>>, %arg9: memref<32x8x128xf32, #tpu.memory_space<hbm>>, %arg10: memref<2x80xi32, #tpu.memory_space<vmem>>, %arg11: memref<2x56xf32, #tpu.memory_space<vmem>>, %arg12: memref<2x40xi32, #tpu.memory_space<vmem>>, %arg13: memref<2x40x128xf32, #tpu.memory_space<vmem>>, %arg14: memref<2x40x128xf32, #tpu.memory_space<vmem>>, %arg15: memref<2x40x128xf32, #tpu.memory_space<vmem>>, %arg16: memref<2x40x128xf32, #tpu.memory_space<vmem>>, %arg17: memref<128xf32, #tpu.memory_space<vmem>>, %arg18: memref<128xf32, #tpu.memory_space<vmem>>, %arg19: memref<10000x128xf32, #tpu.memory_space<vmem_shared>>, %arg20: memref<!tpu.dma_semaphore, #tpu.memory_space<semaphore_mem>>, %arg21: memref<!tpu.dma_semaphore, #tpu.memory_space<semaphore_mem>>, %arg22: memref<!tpu.dma_semaphore, #tpu.memory_space<semaphore_mem>>, %arg23: memref<!tpu.dma_semaphore, #tpu.memory_space<semaphore_mem>>, %arg24: memref<!tpu.dma_semaphore, #tpu.memory_space<semaphore_mem>>) attributes {dimension_semantics = [#tpu.dimension_semantics<core_parallel>, #tpu.dimension_semantics<subcore_parallel>], iteration_bounds = array<i64: 2, 16>, scalar_prefetch = 0 : i64, scratch_operands = 15 : i64, tpu.core_type = #tpu.core_type<sc_vector_subcore>, window_params = [{transform_indices = #map}, {transform_indices = #map}, {transform_indices = #map}, {transform_indices = #map1}, {transform_indices = #map1}, {transform_indices = #map}, {transform_indices = #map2}, {transform_indices = #map2}]} {
    %mul3A = arith.constant 16 : i32
    %mul3A_0 = arith.muli %arg0, %mul3A : i32
    %add3A = arith.addi %mul3A_0, %arg1 : i32
    %broadcast_in_dim3A = arith.constant 0.000000e+00 : f32
    %broadcast_in_dim3A_1 = vector.broadcast %broadcast_in_dim3A : f32 to vector<16xf32>
    %scan3A = arith.constant 0 : i32
    %scan3A_2 = arith.constant 0 : i32
    %scan3A_3 = arith.constant 40 : i32
    %scan3A_4 = arith.addi %scan3A_2, %scan3A_3 : i32
    %scan3A_5 = arith.constant 1 : i32
    scf.for %scan3A_199 = %scan3A_2 to %scan3A_4 step %scan3A_5  : i32 {
      %swap3A_200 = arith.constant 0 : i32
      %swap3A_201 = arith.index_cast %swap3A_200 : i32 to index
      %swap3A_202 = arith.index_cast %scan3A_199 : i32 to index
      %swap3A_203 = arith.constant 0 : index
      %swap3A_204 = tpu.vector_load %arg16[%swap3A_201, %swap3A_202, %swap3A_203] {strides = array<i32>} : memref<2x40x128xf32, #tpu.memory_space<vmem>>, vector<1x1x16xf32>,
      %swap3A_205 = vector.shape_cast %swap3A_204 : vector<1x1x16xf32> to vector<16xf32>
      %swap3A_206 = vector.shape_cast %broadcast_in_dim3A_1 : vector<16xf32> to vector<1x1x16xf32>
      tpu.vector_store %arg16[%swap3A_201, %swap3A_202, %swap3A_203], %swap3A_206 {strides = array<i32>} : memref<2x40x128xf32, #tpu.memory_space<vmem>>, vector<1x1x16xf32>,
      %swap3A_207 = arith.constant 0 : i32
      %swap3A_208 = arith.index_cast %swap3A_207 : i32 to index
      %swap3A_209 = arith.index_cast %scan3A_199 : i32 to index
      %swap3A_210 = arith.constant 16 : index
      %swap3A_211 = tpu.vector_load %arg16[%swap3A_208, %swap3A_209, %swap3A_210] {strides = array<i32>} : memref<2x40x128xf32, #tpu.memory_space<vmem>>, vector<1x1x16xf32>,
      %swap3A_212 = vector.shape_cast %swap3A_211 : vector<1x1x16xf32> to vector<16xf32>
      %swap3A_213 = vector.shape_cast %broadcast_in_dim3A_1 : vector<16xf32> to vector<1x1x16xf32>
      tpu.vector_store %arg16[%swap3A_208, %swap3A_209, %swap3A_210], %swap3A_213 {strides = array<i32>} : memref<2x40x128xf32, #tpu.memory_space<vmem>>, vector<1x1x16xf32>,
      %swap3A_214 = arith.constant 0 : i32
      %swap3A_215 = arith.index_cast %swap3A_214 : i32 to index
      %swap3A_216 = arith.index_cast %scan3A_199 : i32 to index
      %swap3A_217 = arith.constant 32 : index
      %swap3A_218 = tpu.vector_load %arg16[%swap3A_215, %swap3A_216, %swap3A_217] {strides = array<i32>} : memref<2x40x128xf32, #tpu.memory_space<vmem>>, vector<1x1x16xf32>,
      %swap3A_219 = vector.shape_cast %swap3A_218 : vector<1x1x16xf32> to vector<16xf32>
      %swap3A_220 = vector.shape_cast %broadcast_in_dim3A_1 : vector<16xf32> to vector<1x1x16xf32>
      tpu.vector_store %arg16[%swap3A_215, %swap3A_216, %swap3A_217], %swap3A_220 {strides = array<i32>} : memref<2x40x128xf32, #tpu.memory_space<vmem>>, vector<1x1x16xf32>,
      %swap3A_221 = arith.constant 0 : i32
      %swap3A_222 = arith.index_cast %swap3A_221 : i32 to index
      %swap3A_223 = arith.index_cast %scan3A_199 : i32 to index
      %swap3A_224 = arith.constant 48 : index
      %swap3A_225 = tpu.vector_load %arg16[%swap3A_222, %swap3A_223, %swap3A_224] {strides = array<i32>} : memref<2x40x128xf32, #tpu.memory_space<vmem>>, vector<1x1x16xf32>,
      %swap3A_226 = vector.shape_cast %swap3A_225 : vector<1x1x16xf32> to vector<16xf32>
      %swap3A_227 = vector.shape_cast %broadcast_in_dim3A_1 : vector<16xf32> to vector<1x1x16xf32>
      tpu.vector_store %arg16[%swap3A_222, %swap3A_223, %swap3A_224], %swap3A_227 {strides = array<i32>} : memref<2x40x128xf32, #tpu.memory_space<vmem>>, vector<1x1x16xf32>,
      %swap3A_228 = arith.constant 0 : i32
      %swap3A_229 = arith.index_cast %swap3A_228 : i32 to index
      %swap3A_230 = arith.index_cast %scan3A_199 : i32 to index
      %swap3A_231 = arith.constant 64 : index
      %swap3A_232 = tpu.vector_load %arg16[%swap3A_229, %swap3A_230, %swap3A_231] {strides = array<i32>} : memref<2x40x128xf32, #tpu.memory_space<vmem>>, vector<1x1x16xf32>,
      %swap3A_233 = vector.shape_cast %swap3A_232 : vector<1x1x16xf32> to vector<16xf32>
      %swap3A_234 = vector.shape_cast %broadcast_in_dim3A_1 : vector<16xf32> to vector<1x1x16xf32>
      tpu.vector_store %arg16[%swap3A_229, %swap3A_230, %swap3A_231], %swap3A_234 {strides = array<i32>} : memref<2x40x128xf32, #tpu.memory_space<vmem>>, vector<1x1x16xf32>,
      %swap3A_235 = arith.constant 0 : i32
      %swap3A_236 = arith.index_cast %swap3A_235 : i32 to index
      %swap3A_237 = arith.index_cast %scan3A_199 : i32 to index
      %swap3A_238 = arith.constant 80 : index
      %swap3A_239 = tpu.vector_load %arg16[%swap3A_236, %swap3A_237, %swap3A_238] {strides = array<i32>} : memref<2x40x128xf32, #tpu.memory_space<vmem>>, vector<1x1x16xf32>,
      %swap3A_240 = vector.shape_cast %swap3A_239 : vector<1x1x16xf32> to vector<16xf32>
      %swap3A_241 = vector.shape_cast %broadcast_in_dim3A_1 : vector<16xf32> to vector<1x1x16xf32>
      tpu.vector_store %arg16[%swap3A_236, %swap3A_237, %swap3A_238], %swap3A_241 {strides = array<i32>} : memref<2x40x128xf32, #tpu.memory_space<vmem>>, vector<1x1x16xf32>,
      %swap3A_242 = arith.constant 0 : i32
      %swap3A_243 = arith.index_cast %swap3A_242 : i32 to index
      %swap3A_244 = arith.index_cast %scan3A_199 : i32 to index
      %swap3A_245 = arith.constant 96 : index
      %swap3A_246 = tpu.vector_load %arg16[%swap3A_243, %swap3A_244, %swap3A_245] {strides = array<i32>} : memref<2x40x128xf32, #tpu.memory_space<vmem>>, vector<1x1x16xf32>,
      %swap3A_247 = vector.shape_cast %swap3A_246 : vector<1x1x16xf32> to vector<16xf32>
      %swap3A_248 = vector.shape_cast %broadcast_in_dim3A_1 : vector<16xf32> to vector<1x1x16xf32>
      tpu.vector_store %arg16[%swap3A_243, %swap3A_244, %swap3A_245], %swap3A_248 {strides = array<i32>} : memref<2x40x128xf32, #tpu.memory_space<vmem>>, vector<1x1x16xf32>,
      %swap3A_249 = arith.constant 0 : i32
      %swap3A_250 = arith.index_cast %swap3A_249 : i32 to index
      %swap3A_251 = arith.index_cast %scan3A_199 : i32 to index
      %swap3A_252 = arith.constant 112 : index
      %swap3A_253 = tpu.vector_load %arg16[%swap3A_250, %swap3A_251, %swap3A_252] {strides = array<i32>} : memref<2x40x128xf32, #tpu.memory_space<vmem>>, vector<1x1x16xf32>,
      %swap3A_254 = vector.shape_cast %swap3A_253 : vector<1x1x16xf32> to vector<16xf32>
      %swap3A_255 = vector.shape_cast %broadcast_in_dim3A_1 : vector<16xf32> to vector<1x1x16xf32>
      tpu.vector_store %arg16[%swap3A_250, %swap3A_251, %swap3A_252], %swap3A_255 {strides = array<i32>} : memref<2x40x128xf32, #tpu.memory_space<vmem>>, vector<1x1x16xf32>,
    }
    %scan3A_6 = arith.constant 40 : i32
    %scan3A_7 = arith.constant 0 : i32
    %scan3A_8 = arith.constant 0 : i32
    %scan3A_9 = arith.constant 16 : i32
    %scan3A_10 = arith.addi %scan3A_8, %scan3A_9 : i32
    %scan3A_11 = arith.constant 1 : i32
    scf.for %scan3A_199 = %scan3A_8 to %scan3A_10 step %scan3A_11  : i32 {
      %mul3A_200 = arith.constant 16 : i32
      %mul3A_201 = arith.muli %scan3A_199, %mul3A_200 : i32
      %add3A_202 = arith.addi %arg1, %mul3A_201 : i32
      %lt3A = arith.constant 250 : i32
      %lt3A_203 = arith.cmpi slt, %add3A_202, %lt3A : i32
      %convert_element_type3A = arith.extui %lt3A_203 : i1 to i32
      %cond3A = arith.constant 0 : i32
      %cond3A_204 = arith.cmpi ne, %convert_element_type3A, %cond3A : i32
      scf.if %cond3A_204 {
        %mul3A_205 = arith.constant 40 : i32
        %mul3A_206 = arith.muli %add3A_202, %mul3A_205 : i32
        %multiple_of3A_207 = tpu.assume_multiple %mul3A_206, 8 : i32
        %run_scoped3A_208 = arith.constant 0 : i32
        "tpu.region"() ({
          %run_scoped3A_209 = tpu.sem_alloc : memref<!tpu.dma_semaphore, #tpu.memory_space<semaphore_mem>>
          %dma_start3A_210 = arith.constant 0 : i32
          %dma_start3A_211 = arith.constant 0 : i32
          %dma_start3A_212 = tpu.memref_slice %arg16[%run_scoped3A_208, %dma_start3A_210, %dma_start3A_211] : memref<2x40x128xf32, #tpu.memory_space<vmem>> -> memref<1x40x128xf32, #tpu.memory_space<vmem>>
          %dma_start3A_213 = tpu.memref_squeeze %dma_start3A_212 : memref<1x40x128xf32, #tpu.memory_space<vmem>> -> memref<40x128xf32, #tpu.memory_space<vmem>>
          %dma_start3A_214 = arith.constant 0 : i32
          %dma_start3A_215 = tpu.memref_slice %arg19[%multiple_of3A_207, %dma_start3A_214] : memref<10000x128xf32, #tpu.memory_space<vmem_shared>> -> memref<40x128xf32, #tpu.memory_space<vmem_shared>>
          %dma_start3A_216 = arith.constant 0 : i32
          %dma_start3A_217 = tpu.memref_slice %arg19[%multiple_of3A_207, %dma_start3A_216] : memref<10000x128xf32, #tpu.memory_space<vmem_shared>> -> memref<40x128xf32, #tpu.memory_space<vmem_shared>>
          %dma_start3A_218 = arith.constant 0 : i32
          %dma_start3A_219 = arith.constant 0 : i32
          %dma_start3A_220 = tpu.memref_slice %arg16[%run_scoped3A_208, %dma_start3A_218, %dma_start3A_219] : memref<2x40x128xf32, #tpu.memory_space<vmem>> -> memref<1x40x128xf32, #tpu.memory_space<vmem>>
          %dma_start3A_221 = tpu.memref_squeeze %dma_start3A_220 : memref<1x40x128xf32, #tpu.memory_space<vmem>> -> memref<40x128xf32, #tpu.memory_space<vmem>>
          tpu.enqueue_dma source(%dma_start3A_221 : memref<40x128xf32, #tpu.memory_space<vmem>>) target(%dma_start3A_217 : memref<40x128xf32, #tpu.memory_space<vmem_shared>>) target_semaphore(%run_scoped3A_209 : memref<!tpu.dma_semaphore, #tpu.memory_space<semaphore_mem>>)
          %dma_wait3A_222 = arith.constant 0 : i32
          %dma_wait3A_223 = arith.constant 0 : i32
          %dma_wait3A_224 = tpu.memref_slice %arg16[%run_scoped3A_208, %dma_wait3A_222, %dma_wait3A_223] : memref<2x40x128xf32, #tpu.memory_space<vmem>> -> memref<1x40x128xf32, #tpu.memory_space<vmem>>
          %dma_wait3A_225 = tpu.memref_squeeze %dma_wait3A_224 : memref<1x40x128xf32, #tpu.memory_space<vmem>> -> memref<40x128xf32, #tpu.memory_space<vmem>>
          %dma_wait3A_226 = arith.constant 0 : i32
          %dma_wait3A_227 = tpu.memref_slice %arg19[%multiple_of3A_207, %dma_wait3A_226] : memref<10000x128xf32, #tpu.memory_space<vmem_shared>> -> memref<40x128xf32, #tpu.memory_space<vmem_shared>>
          %dma_wait3A_228 = arith.constant 0 : i32
          %dma_wait3A_229 = tpu.memref_slice %arg19[%multiple_of3A_207, %dma_wait3A_228] : memref<10000x128xf32, #tpu.memory_space<vmem_shared>> -> memref<40x128xf32, #tpu.memory_space<vmem_shared>>
          %dma_wait3A_230 = arith.constant 0 : i32
          %dma_wait3A_231 = arith.constant 0 : i32
          %dma_wait3A_232 = tpu.memref_slice %arg16[%run_scoped3A_208, %dma_wait3A_230, %dma_wait3A_231] : memref<2x40x128xf32, #tpu.memory_space<vmem>> -> memref<1x40x128xf32, #tpu.memory_space<vmem>>
          %dma_wait3A_233 = tpu.memref_squeeze %dma_wait3A_232 : memref<1x40x128xf32, #tpu.memory_space<vmem>> -> memref<40x128xf32, #tpu.memory_space<vmem>>
          tpu.wait_dma2 semaphore(%run_scoped3A_209 : memref<!tpu.dma_semaphore, #tpu.memory_space<semaphore_mem>>) src(%dma_wait3A_233 : memref<40x128xf32, #tpu.memory_space<vmem>>) dst(%dma_wait3A_229 : memref<40x128xf32, #tpu.memory_space<vmem_shared>>)
          tpu.yield
        }) : () -> ()
      } else {
      }
    }
    %scan3A_12 = arith.constant 16 : i32
    %barrier3A = arith.constant 0 : index
    tpu.barrier barrier_id(%barrier3A)
    %run_scoped3A = arith.constant 0 : i32
    "tpu.region"() ({
      %run_scoped3A_199 = tpu.sem_alloc : memref<!tpu.dma_semaphore, #tpu.memory_space<semaphore_mem>>
      %dma_start3A_200 = arith.constant 0 : i32
      %dma_start3A_201 = tpu.memref_slice %arg7[%run_scoped3A, %dma_start3A_200] : memref<8x128xf32, #tpu.memory_space<hbm>> -> memref<1x128xf32, #tpu.memory_space<hbm>>
      %dma_start3A_202 = tpu.memref_squeeze %dma_start3A_201 : memref<1x128xf32, #tpu.memory_space<hbm>> -> memref<128xf32, #tpu.memory_space<hbm>>
      %dma_start3A_203 = arith.constant 0 : i32
      %dma_start3A_204 = tpu.memref_slice %arg7[%run_scoped3A, %dma_start3A_203] : memref<8x128xf32, #tpu.memory_space<hbm>> -> memref<1x128xf32, #tpu.memory_space<hbm>>
      %dma_start3A_205 = tpu.memref_squeeze %dma_start3A_204 : memref<1x128xf32, #tpu.memory_space<hbm>> -> memref<128xf32, #tpu.memory_space<hbm>>
      tpu.enqueue_dma source(%dma_start3A_205 : memref<128xf32, #tpu.memory_space<hbm>>) target(%arg17 : memref<128xf32, #tpu.memory_space<vmem>>) target_semaphore(%run_scoped3A_199 : memref<!tpu.dma_semaphore, #tpu.memory_space<semaphore_mem>>)
      %dma_wait3A_206 = arith.constant 0 : i32
      %dma_wait3A_207 = tpu.memref_slice %arg7[%run_scoped3A, %dma_wait3A_206] : memref<8x128xf32, #tpu.memory_space<hbm>> -> memref<1x128xf32, #tpu.memory_space<hbm>>
      %dma_wait3A_208 = tpu.memref_squeeze %dma_wait3A_207 : memref<1x128xf32, #tpu.memory_space<hbm>> -> memref<128xf32, #tpu.memory_space<hbm>>
      %dma_wait3A_209 = arith.constant 0 : i32
      %dma_wait3A_210 = tpu.memref_slice %arg7[%run_scoped3A, %dma_wait3A_209] : memref<8x128xf32, #tpu.memory_space<hbm>> -> memref<1x128xf32, #tpu.memory_space<hbm>>
      %dma_wait3A_211 = tpu.memref_squeeze %dma_wait3A_210 : memref<1x128xf32, #tpu.memory_space<hbm>> -> memref<128xf32, #tpu.memory_space<hbm>>
      tpu.wait_dma2 semaphore(%run_scoped3A_199 : memref<!tpu.dma_semaphore, #tpu.memory_space<semaphore_mem>>) src(%dma_wait3A_211 : memref<128xf32, #tpu.memory_space<hbm>>) dst(%arg17 : memref<128xf32, #tpu.memory_space<vmem>>)
      tpu.yield
    }) : () -> ()
    %get3A = arith.constant 0 : index
    %get3A_13 = tpu.vector_load %arg17[%get3A] {strides = array<i32>} : memref<128xf32, #tpu.memory_space<vmem>>, vector<16xf32>,
    %get3A_14 = vector.shape_cast %get3A_13 : vector<16xf32> to vector<16xf32>
    %get3A_15 = arith.constant 16 : index
    %get3A_16 = tpu.vector_load %arg17[%get3A_15] {strides = array<i32>} : memref<128xf32, #tpu.memory_space<vmem>>, vector<16xf32>,
    %get3A_17 = vector.shape_cast %get3A_16 : vector<16xf32> to vector<16xf32>
    %get3A_18 = arith.constant 32 : index
    %get3A_19 = tpu.vector_load %arg17[%get3A_18] {strides = array<i32>} : memref<128xf32, #tpu.memory_space<vmem>>, vector<16xf32>,
    %get3A_20 = vector.shape_cast %get3A_19 : vector<16xf32> to vector<16xf32>
    %get3A_21 = arith.constant 48 : index
    %get3A_22 = tpu.vector_load %arg17[%get3A_21] {strides = array<i32>} : memref<128xf32, #tpu.memory_space<vmem>>, vector<16xf32>,
    %get3A_23 = vector.shape_cast %get3A_22 : vector<16xf32> to vector<16xf32>
    %get3A_24 = arith.constant 64 : index
    %get3A_25 = tpu.vector_load %arg17[%get3A_24] {strides = array<i32>} : memref<128xf32, #tpu.memory_space<vmem>>, vector<16xf32>,
    %get3A_26 = vector.shape_cast %get3A_25 : vector<16xf32> to vector<16xf32>
    %get3A_27 = arith.constant 80 : index
    %get3A_28 = tpu.vector_load %arg17[%get3A_27] {strides = array<i32>} : memref<128xf32, #tpu.memory_space<vmem>>, vector<16xf32>,
    %get3A_29 = vector.shape_cast %get3A_28 : vector<16xf32> to vector<16xf32>
    %get3A_30 = arith.constant 96 : index
    %get3A_31 = tpu.vector_load %arg17[%get3A_30] {strides = array<i32>} : memref<128xf32, #tpu.memory_space<vmem>>, vector<16xf32>,
    %get3A_32 = vector.shape_cast %get3A_31 : vector<16xf32> to vector<16xf32>
    %get3A_33 = arith.constant 112 : index
    %get3A_34 = tpu.vector_load %arg17[%get3A_33] {strides = array<i32>} : memref<128xf32, #tpu.memory_space<vmem>>, vector<16xf32>,
    %get3A_35 = vector.shape_cast %get3A_34 : vector<16xf32> to vector<16xf32>
    %mul3A_36 = arith.constant 10000 : i32
    %mul3A_37 = arith.muli %add3A, %mul3A_36 : i32
    %mul3A_38 = arith.constant 250 : i32
    %mul3A_39 = arith.muli %add3A, %mul3A_38 : i32
    %add3A_40 = arith.constant 0 : i32
    %add3A_41 = arith.addi %mul3A_39, %add3A_40 : i32
    %mul3A_42 = arith.constant 2 : i32
    %mul3A_43 = arith.muli %add3A_41, %mul3A_42 : i32
    %mul3A_44 = arith.constant 40 : i32
    %mul3A_45 = arith.muli %mul3A_43, %mul3A_44 : i32
    %multiple_of3A = tpu.assume_multiple %mul3A_45, 8 : i32
    %dma_start3A = arith.constant 0 : i32
    %dma_start3A_46 = arith.constant 0 : i32
    %dma_start3A_47 = tpu.memref_slice %arg10[%dma_start3A, %dma_start3A_46] : memref<2x80xi32, #tpu.memory_space<vmem>> -> memref<1x80xi32, #tpu.memory_space<vmem>>
    %dma_start3A_48 = tpu.memref_squeeze %dma_start3A_47 : memref<1x80xi32, #tpu.memory_space<vmem>> -> memref<80xi32, #tpu.memory_space<vmem>>
    %dma_start3A_49 = tpu.memref_slice %arg5[%multiple_of3A] : memref<640000xi32, #tpu.memory_space<hbm>> -> memref<80xi32, #tpu.memory_space<hbm>>
    %dma_start3A_50 = arith.constant 0 : i32
    %dma_start3A_51 = tpu.memref_slice %arg10[%dma_start3A, %dma_start3A_50] : memref<2x80xi32, #tpu.memory_space<vmem>> -> memref<1x80xi32, #tpu.memory_space<vmem>>
    %dma_start3A_52 = tpu.memref_squeeze %dma_start3A_51 : memref<1x80xi32, #tpu.memory_space<vmem>> -> memref<80xi32, #tpu.memory_space<vmem>>
    %dma_start3A_53 = tpu.memref_slice %arg5[%multiple_of3A] : memref<640000xi32, #tpu.memory_space<hbm>> -> memref<80xi32, #tpu.memory_space<hbm>>
    tpu.enqueue_dma source(%dma_start3A_53 : memref<80xi32, #tpu.memory_space<hbm>>) target(%dma_start3A_52 : memref<80xi32, #tpu.memory_space<vmem>>) target_semaphore(%arg21 : memref<!tpu.dma_semaphore, #tpu.memory_space<semaphore_mem>>)
    %add3A_54 = arith.constant 0 : i32
    %add3A_55 = arith.addi %mul3A_37, %add3A_54 : i32
    %multiple_of3A_56 = tpu.assume_multiple %add3A_55, 8 : i32
    %dma_start3A_57 = arith.constant 0 : i32
    %dma_start3A_58 = arith.constant 0 : i32
    %dma_start3A_59 = tpu.memref_slice %arg11[%dma_start3A_57, %dma_start3A_58] : memref<2x56xf32, #tpu.memory_space<vmem>> -> memref<1x40xf32, #tpu.memory_space<vmem>>
    %dma_start3A_60 = tpu.memref_squeeze %dma_start3A_59 : memref<1x40xf32, #tpu.memory_space<vmem>> -> memref<40xf32, #tpu.memory_space<vmem>>
    %dma_start3A_61 = tpu.memref_slice %arg6[%multiple_of3A_56] : memref<320000xf32, #tpu.memory_space<hbm>> -> memref<40xf32, #tpu.memory_space<hbm>>
    %dma_start3A_62 = arith.constant 0 : i32
    %dma_start3A_63 = tpu.memref_slice %arg11[%dma_start3A_57, %dma_start3A_62] : memref<2x56xf32, #tpu.memory_space<vmem>> -> memref<1x40xf32, #tpu.memory_space<vmem>>
    %dma_start3A_64 = tpu.memref_squeeze %dma_start3A_63 : memref<1x40xf32, #tpu.memory_space<vmem>> -> memref<40xf32, #tpu.memory_space<vmem>>
    %dma_start3A_65 = tpu.memref_slice %arg6[%multiple_of3A_56] : memref<320000xf32, #tpu.memory_space<hbm>> -> memref<40xf32, #tpu.memory_space<hbm>>
    tpu.enqueue_dma source(%dma_start3A_65 : memref<40xf32, #tpu.memory_space<hbm>>) target(%dma_start3A_64 : memref<40xf32, #tpu.memory_space<vmem>>) target_semaphore(%arg21 : memref<!tpu.dma_semaphore, #tpu.memory_space<semaphore_mem>>)
    %add3A_66 = arith.constant 1 : i32
    %add3A_67 = arith.addi %mul3A_39, %add3A_66 : i32
    %mul3A_68 = arith.constant 2 : i32
    %mul3A_69 = arith.muli %add3A_67, %mul3A_68 : i32
    %mul3A_70 = arith.constant 40 : i32
    %mul3A_71 = arith.muli %mul3A_69, %mul3A_70 : i32
    %multiple_of3A_72 = tpu.assume_multiple %mul3A_71, 8 : i32
    %dma_start3A_73 = arith.constant 1 : i32
    %dma_start3A_74 = arith.constant 0 : i32
    %dma_start3A_75 = tpu.memref_slice %arg10[%dma_start3A_73, %dma_start3A_74] : memref<2x80xi32, #tpu.memory_space<vmem>> -> memref<1x80xi32, #tpu.memory_space<vmem>>
    %dma_start3A_76 = tpu.memref_squeeze %dma_start3A_75 : memref<1x80xi32, #tpu.memory_space<vmem>> -> memref<80xi32, #tpu.memory_space<vmem>>
    %dma_start3A_77 = tpu.memref_slice %arg5[%multiple_of3A_72] : memref<640000xi32, #tpu.memory_space<hbm>> -> memref<80xi32, #tpu.memory_space<hbm>>
    %dma_start3A_78 = arith.constant 0 : i32
    %dma_start3A_79 = tpu.memref_slice %arg10[%dma_start3A_73, %dma_start3A_78] : memref<2x80xi32, #tpu.memory_space<vmem>> -> memref<1x80xi32, #tpu.memory_space<vmem>>
    %dma_start3A_80 = tpu.memref_squeeze %dma_start3A_79 : memref<1x80xi32, #tpu.memory_space<vmem>> -> memref<80xi32, #tpu.memory_space<vmem>>
    %dma_start3A_81 = tpu.memref_slice %arg5[%multiple_of3A_72] : memref<640000xi32, #tpu.memory_space<hbm>> -> memref<80xi32, #tpu.memory_space<hbm>>
    tpu.enqueue_dma source(%dma_start3A_81 : memref<80xi32, #tpu.memory_space<hbm>>) target(%dma_start3A_80 : memref<80xi32, #tpu.memory_space<vmem>>) target_semaphore(%arg22 : memref<!tpu.dma_semaphore, #tpu.memory_space<semaphore_mem>>)
    %add3A_82 = arith.constant 40 : i32
    %add3A_83 = arith.addi %mul3A_37, %add3A_82 : i32
    %multiple_of3A_84 = tpu.assume_multiple %add3A_83, 8 : i32
    %dma_start3A_85 = arith.constant 1 : i32
    %dma_start3A_86 = arith.constant 0 : i32
    %dma_start3A_87 = tpu.memref_slice %arg11[%dma_start3A_85, %dma_start3A_86] : memref<2x56xf32, #tpu.memory_space<vmem>> -> memref<1x40xf32, #tpu.memory_space<vmem>>
    %dma_start3A_88 = tpu.memref_squeeze %dma_start3A_87 : memref<1x40xf32, #tpu.memory_space<vmem>> -> memref<40xf32, #tpu.memory_space<vmem>>
    %dma_start3A_89 = tpu.memref_slice %arg6[%multiple_of3A_84] : memref<320000xf32, #tpu.memory_space<hbm>> -> memref<40xf32, #tpu.memory_space<hbm>>
    %dma_start3A_90 = arith.constant 0 : i32
    %dma_start3A_91 = tpu.memref_slice %arg11[%dma_start3A_85, %dma_start3A_90] : memref<2x56xf32, #tpu.memory_space<vmem>> -> memref<1x40xf32, #tpu.memory_space<vmem>>
    %dma_start3A_92 = tpu.memref_squeeze %dma_start3A_91 : memref<1x40xf32, #tpu.memory_space<vmem>> -> memref<40xf32, #tpu.memory_space<vmem>>
    %dma_start3A_93 = tpu.memref_slice %arg6[%multiple_of3A_84] : memref<320000xf32, #tpu.memory_space<hbm>> -> memref<40xf32, #tpu.memory_space<hbm>>
    tpu.enqueue_dma source(%dma_start3A_93 : memref<40xf32, #tpu.memory_space<hbm>>) target(%dma_start3A_92 : memref<40xf32, #tpu.memory_space<vmem>>) target_semaphore(%arg22 : memref<!tpu.dma_semaphore, #tpu.memory_space<semaphore_mem>>)
    %dma_wait3A = arith.constant 0 : i32
    %dma_wait3A_94 = arith.constant 0 : i32
    %dma_wait3A_95 = tpu.memref_slice %arg10[%dma_wait3A, %dma_wait3A_94] : memref<2x80xi32, #tpu.memory_space<vmem>> -> memref<1x80xi32, #tpu.memory_space<vmem>>
    %dma_wait3A_96 = tpu.memref_squeeze %dma_wait3A_95 : memref<1x80xi32, #tpu.memory_space<vmem>> -> memref<80xi32, #tpu.memory_space<vmem>>
    %dma_wait3A_97 = arith.constant 0 : i32
    %dma_wait3A_98 = tpu.memref_slice %arg5[%dma_wait3A_97] : memref<640000xi32, #tpu.memory_space<hbm>> -> memref<80xi32, #tpu.memory_space<hbm>>
    %dma_wait3A_99 = arith.constant 0 : i32
    %dma_wait3A_100 = tpu.memref_slice %arg10[%dma_wait3A, %dma_wait3A_99] : memref<2x80xi32, #tpu.memory_space<vmem>> -> memref<1x80xi32, #tpu.memory_space<vmem>>
    %dma_wait3A_101 = tpu.memref_squeeze %dma_wait3A_100 : memref<1x80xi32, #tpu.memory_space<vmem>> -> memref<80xi32, #tpu.memory_space<vmem>>
    %dma_wait3A_102 = arith.constant 0 : i32
    %dma_wait3A_103 = tpu.memref_slice %arg5[%dma_wait3A_102] : memref<640000xi32, #tpu.memory_space<hbm>> -> memref<80xi32, #tpu.memory_space<hbm>>
    tpu.wait_dma2 semaphore(%arg21 : memref<!tpu.dma_semaphore, #tpu.memory_space<semaphore_mem>>) src(%dma_wait3A_103 : memref<80xi32, #tpu.memory_space<hbm>>) dst(%dma_wait3A_101 : memref<80xi32, #tpu.memory_space<vmem>>)
    %dma_wait3A_104 = arith.constant 0 : i32
    %dma_wait3A_105 = arith.constant 0 : i32
    %dma_wait3A_106 = tpu.memref_slice %arg11[%dma_wait3A_104, %dma_wait3A_105] : memref<2x56xf32, #tpu.memory_space<vmem>> -> memref<1x40xf32, #tpu.memory_space<vmem>>
    %dma_wait3A_107 = tpu.memref_squeeze %dma_wait3A_106 : memref<1x40xf32, #tpu.memory_space<vmem>> -> memref<40xf32, #tpu.memory_space<vmem>>
    %dma_wait3A_108 = arith.constant 0 : i32
    %dma_wait3A_109 = tpu.memref_slice %arg6[%dma_wait3A_108] : memref<320000xf32, #tpu.memory_space<hbm>> -> memref<40xf32, #tpu.memory_space<hbm>>
    %dma_wait3A_110 = arith.constant 0 : i32
    %dma_wait3A_111 = tpu.memref_slice %arg11[%dma_wait3A_104, %dma_wait3A_110] : memref<2x56xf32, #tpu.memory_space<vmem>> -> memref<1x40xf32, #tpu.memory_space<vmem>>
    %dma_wait3A_112 = tpu.memref_squeeze %dma_wait3A_111 : memref<1x40xf32, #tpu.memory_space<vmem>> -> memref<40xf32, #tpu.memory_space<vmem>>
    %dma_wait3A_113 = arith.constant 0 : i32
    %dma_wait3A_114 = tpu.memref_slice %arg6[%dma_wait3A_113] : memref<320000xf32, #tpu.memory_space<hbm>> -> memref<40xf32, #tpu.memory_space<hbm>>
    tpu.wait_dma2 semaphore(%arg21 : memref<!tpu.dma_semaphore, #tpu.memory_space<semaphore_mem>>) src(%dma_wait3A_114 : memref<40xf32, #tpu.memory_space<hbm>>) dst(%dma_wait3A_112 : memref<40xf32, #tpu.memory_space<vmem>>)
    %dma_start3A_115 = arith.constant 0 : i32
    %dma_start3A_116 = arith.constant 0 : i32
    %dma_start3A_117 = arith.constant 0 : i32
    %dma_start3A_118 = arith.constant 0 : i32
    %dma_start3A_119 = tpu.memref_slice %arg13[%dma_start3A_116, %dma_start3A_117, %dma_start3A_118] : memref<2x40x128xf32, #tpu.memory_space<vmem>> -> memref<1x40x128xf32, #tpu.memory_space<vmem>>
    %dma_start3A_120 = tpu.memref_squeeze %dma_start3A_119 : memref<1x40x128xf32, #tpu.memory_space<vmem>> -> memref<40x128xf32, #tpu.memory_space<vmem>>
    %dma_start3A_121 = arith.constant 0 : i32
    %dma_start3A_122 = tpu.memref_slice %arg10[%dma_start3A_115, %dma_start3A_121] : memref<2x80xi32, #tpu.memory_space<vmem>> -> memref<1x40xi32, #tpu.memory_space<vmem>>
    %dma_start3A_123 = tpu.memref_squeeze %dma_start3A_122 : memref<1x40xi32, #tpu.memory_space<vmem>> -> memref<40xi32, #tpu.memory_space<vmem>>
    %dma_start3A_124 = arith.constant 0 : i32
    %dma_start3A_125 = arith.constant 0 : i32
    %dma_start3A_126 = tpu.memref_slice %arg2[%dma_start3A_124, %dma_start3A_125] : memref<10000x128xf32, #tpu.memory_space<hbm>> -> memref<10000x128xf32, #tpu.memory_space<hbm>>
    tpu.enqueue_indirect_dma source(%dma_start3A_126 : memref<10000x128xf32, #tpu.memory_space<hbm>>) target(%dma_start3A_120 : memref<40x128xf32, #tpu.memory_space<vmem>>) offsets(%dma_start3A_123 : memref<40xi32, #tpu.memory_space<vmem>>) semaphore(%arg20 : memref<!tpu.dma_semaphore, #tpu.memory_space<semaphore_mem>>)
    %dma_start3A_127 = arith.constant 0 : i32
    %dma_start3A_128 = arith.constant 0 : i32
    %dma_start3A_129 = arith.constant 0 : i32
    %dma_start3A_130 = arith.constant 0 : i32
    %dma_start3A_131 = tpu.memref_slice %arg14[%dma_start3A_128, %dma_start3A_129, %dma_start3A_130] : memref<2x40x128xf32, #tpu.memory_space<vmem>> -> memref<1x40x128xf32, #tpu.memory_space<vmem>>
    %dma_start3A_132 = tpu.memref_squeeze %dma_start3A_131 : memref<1x40x128xf32, #tpu.memory_space<vmem>> -> memref<40x128xf32, #tpu.memory_space<vmem>>
    %dma_start3A_133 = arith.constant 40 : i32
    %dma_start3A_134 = tpu.memref_slice %arg10[%dma_start3A_127, %dma_start3A_133] : memref<2x80xi32, #tpu.memory_space<vmem>> -> memref<1x40xi32, #tpu.memory_space<vmem>>
    %dma_start3A_135 = tpu.memref_squeeze %dma_start3A_134 : memref<1x40xi32, #tpu.memory_space<vmem>> -> memref<40xi32, #tpu.memory_space<vmem>>
    %dma_start3A_136 = arith.constant 0 : i32
    %dma_start3A_137 = arith.constant 0 : i32
    %dma_start3A_138 = tpu.memref_slice %arg3[%dma_start3A_136, %dma_start3A_137] : memref<10000x128xf32, #tpu.memory_space<hbm>> -> memref<10000x128xf32, #tpu.memory_space<hbm>>
    tpu.enqueue_indirect_dma source(%dma_start3A_138 : memref<10000x128xf32, #tpu.memory_space<hbm>>) target(%dma_start3A_132 : memref<40x128xf32, #tpu.memory_space<vmem>>) offsets(%dma_start3A_135 : memref<40xi32, #tpu.memory_space<vmem>>) semaphore(%arg20 : memref<!tpu.dma_semaphore, #tpu.memory_space<semaphore_mem>>)
    %broadcast_in_dim3A_139 = arith.constant 0.000000e+00 : f32
    %broadcast_in_dim3A_140 = vector.broadcast %broadcast_in_dim3A_139 : f32 to vector<16xf32>
    %broadcast_in_dim3A_141 = arith.constant 0.000000e+00 : f32
    %broadcast_in_dim3A_142 = vector.broadcast %broadcast_in_dim3A_141 : f32 to vector<16xf32>
    %broadcast_in_dim3A_143 = arith.constant 0.000000e+00 : f32
    %broadcast_in_dim3A_144 = vector.broadcast %broadcast_in_dim3A_143 : f32 to vector<16xf32>
    %broadcast_in_dim3A_145 = arith.constant 0.000000e+00 : f32
    %broadcast_in_dim3A_146 = vector.broadcast %broadcast_in_dim3A_145 : f32 to vector<16xf32>
    %broadcast_in_dim3A_147 = arith.constant 0.000000e+00 : f32
    %broadcast_in_dim3A_148 = vector.broadcast %broadcast_in_dim3A_147 : f32 to vector<16xf32>
    %broadcast_in_dim3A_149 = arith.constant 0.000000e+00 : f32
    %broadcast_in_dim3A_150 = vector.broadcast %broadcast_in_dim3A_149 : f32 to vector<16xf32>
    %broadcast_in_dim3A_151 = arith.constant 0.000000e+00 : f32
    %broadcast_in_dim3A_152 = vector.broadcast %broadcast_in_dim3A_151 : f32 to vector<16xf32>
    %broadcast_in_dim3A_153 = arith.constant 0.000000e+00 : f32
    %broadcast_in_dim3A_154 = vector.broadcast %broadcast_in_dim3A_153 : f32 to vector<16xf32>
    %scan3A_155 = arith.constant 0 : i32
    %scan3A_156 = arith.constant 125 : i32
    %scan3A_157 = arith.addi %scan3A_155, %scan3A_156 : i32
    %scan3A_158 = arith.constant 1 : i32
    scf.for %scan3A_199 = %scan3A_155 to %scan3A_157 step %scan3A_158  : i32 {
      %mul3A_200 = arith.constant 2 : i32
      %mul3A_201 = arith.muli %mul3A_200, %scan3A_199 : i32
      %add3A_202 = arith.constant 0 : i32
      %add3A_203 = arith.addi %mul3A_201, %add3A_202 : i32
      %dma_wait3A_204 = arith.constant 0 : i32
      %dma_wait3A_205 = arith.constant 0 : i32
      %dma_wait3A_206 = arith.constant 0 : i32
      %dma_wait3A_207 = arith.constant 0 : i32
      %dma_wait3A_208 = tpu.memref_slice %arg13[%dma_wait3A_205, %dma_wait3A_206, %dma_wait3A_207] : memref<2x40x128xf32, #tpu.memory_space<vmem>> -> memref<1x40x128xf32, #tpu.memory_space<vmem>>
      %dma_wait3A_209 = tpu.memref_squeeze %dma_wait3A_208 : memref<1x40x128xf32, #tpu.memory_space<vmem>> -> memref<40x128xf32, #tpu.memory_space<vmem>>
      %dma_wait3A_210 = arith.constant 0 : i32
      %dma_wait3A_211 = tpu.memref_slice %arg10[%dma_wait3A_204, %dma_wait3A_210] : memref<2x80xi32, #tpu.memory_space<vmem>> -> memref<1x40xi32, #tpu.memory_space<vmem>>
      %dma_wait3A_212 = tpu.memref_squeeze %dma_wait3A_211 : memref<1x40xi32, #tpu.memory_space<vmem>> -> memref<40xi32, #tpu.memory_space<vmem>>
      %dma_wait3A_213 = arith.constant 0 : i32
      %dma_wait3A_214 = arith.constant 0 : i32
      %dma_wait3A_215 = tpu.memref_slice %arg2[%dma_wait3A_213, %dma_wait3A_214] : memref<10000x128xf32, #tpu.memory_space<hbm>> -> memref<10000x128xf32, #tpu.memory_space<hbm>>
      tpu.wait_indirect_dma semaphore(%arg20 : memref<!tpu.dma_semaphore, #tpu.memory_space<semaphore_mem>>) src(%dma_wait3A_215 : memref<10000x128xf32, #tpu.memory_space<hbm>>) dst(%dma_wait3A_209 : memref<40x128xf32, #tpu.memory_space<vmem>>)
      %dma_wait3A_216 = arith.constant 0 : i32
      %dma_wait3A_217 = arith.constant 0 : i32
      %dma_wait3A_218 = arith.constant 0 : i32
      %dma_wait3A_219 = arith.constant 0 : i32
      %dma_wait3A_220 = tpu.memref_slice %arg14[%dma_wait3A_217, %dma_wait3A_218, %dma_wait3A_219] : memref<2x40x128xf32, #tpu.memory_space<vmem>> -> memref<1x40x128xf32, #tpu.memory_space<vmem>>
      %dma_wait3A_221 = tpu.memref_squeeze %dma_wait3A_220 : memref<1x40x128xf32, #tpu.memory_space<vmem>> -> memref<40x128xf32, #tpu.memory_space<vmem>>
      %dma_wait3A_222 = arith.constant 40 : i32
      %dma_wait3A_223 = tpu.memref_slice %arg10[%dma_wait3A_216, %dma_wait3A_222] : memref<2x80xi32, #tpu.memory_space<vmem>> -> memref<1x40xi32, #tpu.memory_space<vmem>>
      %dma_wait3A_224 = tpu.memref_squeeze %dma_wait3A_223 : memref<1x40xi32, #tpu.memory_space<vmem>> -> memref<40xi32, #tpu.memory_space<vmem>>
      %dma_wait3A_225 = arith.constant 0 : i32
      %dma_wait3A_226 = arith.constant 0 : i32
      %dma_wait3A_227 = tpu.memref_slice %arg3[%dma_wait3A_225, %dma_wait3A_226] : memref<10000x128xf32, #tpu.memory_space<hbm>> -> memref<10000x128xf32, #tpu.memory_space<hbm>>
      tpu.wait_indirect_dma semaphore(%arg20 : memref<!tpu.dma_semaphore, #tpu.memory_space<semaphore_mem>>) src(%dma_wait3A_227 : memref<10000x128xf32, #tpu.memory_space<hbm>>) dst(%dma_wait3A_221 : memref<40x128xf32, #tpu.memory_space<vmem>>)
      %get3A_228 = arith.constant 0 : i32
      %get3A_229 = arith.index_cast %get3A_228 : i32 to index
      %get3A_230 = arith.constant 0 : index
      %get3A_231 = tpu.vector_load %arg10[%get3A_229, %get3A_230] {strides = array<i32>} : memref<2x80xi32, #tpu.memory_space<vmem>>, vector<1x16xi32>,
      %get3A_232 = vector.shape_cast %get3A_231 : vector<1x16xi32> to vector<16xi32>
      %swap3A_233 = arith.constant 0 : i32
      %swap3A_234 = arith.index_cast %swap3A_233 : i32 to index
      %swap3A_235 = arith.constant 0 : index
      %swap3A_236 = tpu.vector_load %arg12[%swap3A_234, %swap3A_235] {strides = array<i32>} : memref<2x40xi32, #tpu.memory_space<vmem>>, vector<1x16xi32>,
      %swap3A_237 = vector.shape_cast %swap3A_236 : vector<1x16xi32> to vector<16xi32>
      %swap3A_238 = vector.shape_cast %get3A_232 : vector<16xi32> to vector<1x16xi32>
      tpu.vector_store %arg12[%swap3A_234, %swap3A_235], %swap3A_238 {strides = array<i32>} : memref<2x40xi32, #tpu.memory_space<vmem>>, vector<1x16xi32>,
      %get3A_239 = arith.constant 0 : i32
      %get3A_240 = arith.index_cast %get3A_239 : i32 to index
      %get3A_241 = arith.constant 16 : index
      %get3A_242 = tpu.vector_load %arg10[%get3A_240, %get3A_241] {strides = array<i32>} : memref<2x80xi32, #tpu.memory_space<vmem>>, vector<1x16xi32>,
      %get3A_243 = vector.shape_cast %get3A_242 : vector<1x16xi32> to vector<16xi32>
      %swap3A_244 = arith.constant 0 : i32
      %swap3A_245 = arith.index_cast %swap3A_244 : i32 to index
      %swap3A_246 = arith.constant 16 : index
      %swap3A_247 = tpu.vector_load %arg12[%swap3A_245, %swap3A_246] {strides = array<i32>} : memref<2x40xi32, #tpu.memory_space<vmem>>, vector<1x16xi32>,
      %swap3A_248 = vector.shape_cast %swap3A_247 : vector<1x16xi32> to vector<16xi32>
      %swap3A_249 = vector.shape_cast %get3A_243 : vector<16xi32> to vector<1x16xi32>
      tpu.vector_store %arg12[%swap3A_245, %swap3A_246], %swap3A_249 {strides = array<i32>} : memref<2x40xi32, #tpu.memory_space<vmem>>, vector<1x16xi32>,
      %get3A_250 = arith.constant 0 : i32
      %get3A_251 = arith.index_cast %get3A_250 : i32 to index
      %get3A_252 = arith.constant 24 : index
      %get3A_253 = tpu.vector_load %arg10[%get3A_251, %get3A_252] {strides = array<i32>} : memref<2x80xi32, #tpu.memory_space<vmem>>, vector<1x16xi32>,
      %get3A_254 = vector.shape_cast %get3A_253 : vector<1x16xi32> to vector<16xi32>
      %swap3A_255 = arith.constant 0 : i32
      %swap3A_256 = arith.index_cast %swap3A_255 : i32 to index
      %swap3A_257 = arith.constant 24 : index
      %swap3A_258 = tpu.vector_load %arg12[%swap3A_256, %swap3A_257] {strides = array<i32>} : memref<2x40xi32, #tpu.memory_space<vmem>>, vector<1x16xi32>,
      %swap3A_259 = vector.shape_cast %swap3A_258 : vector<1x16xi32> to vector<16xi32>
      %swap3A_260 = vector.shape_cast %get3A_254 : vector<16xi32> to vector<1x16xi32>
      tpu.vector_store %arg12[%swap3A_256, %swap3A_257], %swap3A_260 {strides = array<i32>} : memref<2x40xi32, #tpu.memory_space<vmem>>, vector<1x16xi32>,
      %add3A_261 = arith.constant 1 : i32
      %add3A_262 = arith.addi %add3A_203, %add3A_261 : i32
      %lt3A = arith.constant 250 : i32
      %lt3A_263 = arith.cmpi slt, %add3A_262, %lt3A : i32
      %convert_element_type3A = arith.extui %lt3A_263 : i1 to i32
      %cond3A = arith.constant 0 : i32
      %cond3A_264 = arith.cmpi ne, %convert_element_type3A, %cond3A : i32
      scf.if %cond3A_264 {
        %dma_wait3A_361 = arith.constant 1 : i32
        %dma_wait3A_362 = arith.constant 0 : i32
        %dma_wait3A_363 = tpu.memref_slice %arg10[%dma_wait3A_361, %dma_wait3A_362] : memref<2x80xi32, #tpu.memory_space<vmem>> -> memref<1x80xi32, #tpu.memory_space<vmem>>
        %dma_wait3A_364 = tpu.memref_squeeze %dma_wait3A_363 : memref<1x80xi32, #tpu.memory_space<vmem>> -> memref<80xi32, #tpu.memory_space<vmem>>
        %dma_wait3A_365 = arith.constant 0 : i32
        %dma_wait3A_366 = tpu.memref_slice %arg5[%dma_wait3A_365] : memref<640000xi32, #tpu.memory_space<hbm>> -> memref<80xi32, #tpu.memory_space<hbm>>
        %dma_wait3A_367 = arith.constant 0 : i32
        %dma_wait3A_368 = tpu.memref_slice %arg10[%dma_wait3A_361, %dma_wait3A_367] : memref<2x80xi32, #tpu.memory_space<vmem>> -> memref<1x80xi32, #tpu.memory_space<vmem>>
        %dma_wait3A_369 = tpu.memref_squeeze %dma_wait3A_368 : memref<1x80xi32, #tpu.memory_space<vmem>> -> memref<80xi32, #tpu.memory_space<vmem>>
        %dma_wait3A_370 = arith.constant 0 : i32
        %dma_wait3A_371 = tpu.memref_slice %arg5[%dma_wait3A_370] : memref<640000xi32, #tpu.memory_space<hbm>> -> memref<80xi32, #tpu.memory_space<hbm>>
        tpu.wait_dma2 semaphore(%arg22 : memref<!tpu.dma_semaphore, #tpu.memory_space<semaphore_mem>>) src(%dma_wait3A_371 : memref<80xi32, #tpu.memory_space<hbm>>) dst(%dma_wait3A_369 : memref<80xi32, #tpu.memory_space<vmem>>)
        %dma_wait3A_372 = arith.constant 1 : i32
        %dma_wait3A_373 = arith.constant 0 : i32
        %dma_wait3A_374 = tpu.memref_slice %arg11[%dma_wait3A_372, %dma_wait3A_373] : memref<2x56xf32, #tpu.memory_space<vmem>> -> memref<1x40xf32, #tpu.memory_space<vmem>>
        %dma_wait3A_375 = tpu.memref_squeeze %dma_wait3A_374 : memref<1x40xf32, #tpu.memory_space<vmem>> -> memref<40xf32, #tpu.memory_space<vmem>>
        %dma_wait3A_376 = arith.constant 0 : i32
        %dma_wait3A_377 = tpu.memref_slice %arg6[%dma_wait3A_376] : memref<320000xf32, #tpu.memory_space<hbm>> -> memref<40xf32, #tpu.memory_space<hbm>>
        %dma_wait3A_378 = arith.constant 0 : i32
        %dma_wait3A_379 = tpu.memref_slice %arg11[%dma_wait3A_372, %dma_wait3A_378] : memref<2x56xf32, #tpu.memory_space<vmem>> -> memref<1x40xf32, #tpu.memory_space<vmem>>
        %dma_wait3A_380 = tpu.memref_squeeze %dma_wait3A_379 : memref<1x40xf32, #tpu.memory_space<vmem>> -> memref<40xf32, #tpu.memory_space<vmem>>
        %dma_wait3A_381 = arith.constant 0 : i32
        %dma_wait3A_382 = tpu.memref_slice %arg6[%dma_wait3A_381] : memref<320000xf32, #tpu.memory_space<hbm>> -> memref<40xf32, #tpu.memory_space<hbm>>
        tpu.wait_dma2 semaphore(%arg22 : memref<!tpu.dma_semaphore, #tpu.memory_space<semaphore_mem>>) src(%dma_wait3A_382 : memref<40xf32, #tpu.memory_space<hbm>>) dst(%dma_wait3A_380 : memref<40xf32, #tpu.memory_space<vmem>>)
        %dma_start3A_383 = arith.constant 1 : i32
        %dma_start3A_384 = arith.constant 1 : i32
        %dma_start3A_385 = arith.constant 0 : i32
        %dma_start3A_386 = arith.constant 0 : i32
        %dma_start3A_387 = tpu.memref_slice %arg13[%dma_start3A_384, %dma_start3A_385, %dma_start3A_386] : memref<2x40x128xf32, #tpu.memory_space<vmem>> -> memref<1x40x128xf32, #tpu.memory_space<vmem>>
        %dma_start3A_388 = tpu.memref_squeeze %dma_start3A_387 : memref<1x40x128xf32, #tpu.memory_space<vmem>> -> memref<40x128xf32, #tpu.memory_space<vmem>>
        %dma_start3A_389 = arith.constant 0 : i32
        %dma_start3A_390 = tpu.memref_slice %arg10[%dma_start3A_383, %dma_start3A_389] : memref<2x80xi32, #tpu.memory_space<vmem>> -> memref<1x40xi32, #tpu.memory_space<vmem>>
        %dma_start3A_391 = tpu.memref_squeeze %dma_start3A_390 : memref<1x40xi32, #tpu.memory_space<vmem>> -> memref<40xi32, #tpu.memory_space<vmem>>
        %dma_start3A_392 = arith.constant 0 : i32
        %dma_start3A_393 = arith.constant 0 : i32
        %dma_start3A_394 = tpu.memref_slice %arg2[%dma_start3A_392, %dma_start3A_393] : memref<10000x128xf32, #tpu.memory_space<hbm>> -> memref<10000x128xf32, #tpu.memory_space<hbm>>
        tpu.enqueue_indirect_dma source(%dma_start3A_394 : memref<10000x128xf32, #tpu.memory_space<hbm>>) target(%dma_start3A_388 : memref<40x128xf32, #tpu.memory_space<vmem>>) offsets(%dma_start3A_391 : memref<40xi32, #tpu.memory_space<vmem>>) semaphore(%arg20 : memref<!tpu.dma_semaphore, #tpu.memory_space<semaphore_mem>>)
        %dma_start3A_395 = arith.constant 1 : i32
        %dma_start3A_396 = arith.constant 1 : i32
        %dma_start3A_397 = arith.constant 0 : i32
        %dma_start3A_398 = arith.constant 0 : i32
        %dma_start3A_399 = tpu.memref_slice %arg14[%dma_start3A_396, %dma_start3A_397, %dma_start3A_398] : memref<2x40x128xf32, #tpu.memory_space<vmem>> -> memref<1x40x128xf32, #tpu.memory_space<vmem>>
        %dma_start3A_400 = tpu.memref_squeeze %dma_start3A_399 : memref<1x40x128xf32, #tpu.memory_space<vmem>> -> memref<40x128xf32, #tpu.memory_space<vmem>>
        %dma_start3A_401 = arith.constant 40 : i32
        %dma_start3A_402 = tpu.memref_slice %arg10[%dma_start3A_395, %dma_start3A_401] : memref<2x80xi32, #tpu.memory_space<vmem>> -> memref<1x40xi32, #tpu.memory_space<vmem>>
        %dma_start3A_403 = tpu.memref_squeeze %dma_start3A_402 : memref<1x40xi32, #tpu.memory_space<vmem>> -> memref<40xi32, #tpu.memory_space<vmem>>
        %dma_start3A_404 = arith.constant 0 : i32
        %dma_start3A_405 = arith.constant 0 : i32
        %dma_start3A_406 = tpu.memref_slice %arg3[%dma_start3A_404, %dma_start3A_405] : memref<10000x128xf32, #tpu.memory_space<hbm>> -> memref<10000x128xf32, #tpu.memory_space<hbm>>
        tpu.enqueue_indirect_dma source(%dma_start3A_406 : memref<10000x128xf32, #tpu.memory_space<hbm>>) target(%dma_start3A_400 : memref<40x128xf32, #tpu.memory_space<vmem>>) offsets(%dma_start3A_403 : memref<40xi32, #tpu.memory_space<vmem>>) semaphore(%arg20 : memref<!tpu.dma_semaphore, #tpu.memory_space<semaphore_mem>>)
      } else {
      }
      %add3A_265 = arith.constant 2 : i32
      %add3A_266 = arith.addi %add3A_203, %add3A_265 : i32
      %lt3A_267 = arith.constant 250 : i32
      %lt3A_268 = arith.cmpi slt, %add3A_266, %lt3A_267 : i32
      %convert_element_type3A_269 = arith.extui %lt3A_268 : i1 to i32
      %cond3A_270 = arith.constant 0 : i32
      %cond3A_271 = arith.cmpi ne, %convert_element_type3A_269, %cond3A_270 : i32
      scf.if %cond3A_271 {
        %add3A_361 = arith.constant 2 : i32
        %add3A_362 = arith.addi %add3A_203, %add3A_361 : i32
        %add3A_363 = arith.addi %mul3A_39, %add3A_362 : i32
        %mul3A_364 = arith.constant 2 : i32
        %mul3A_365 = arith.muli %add3A_363, %mul3A_364 : i32
        %mul3A_366 = arith.constant 40 : i32
        %mul3A_367 = arith.muli %mul3A_365, %mul3A_366 : i32
        %multiple_of3A_368 = tpu.assume_multiple %mul3A_367, 8 : i32
        %dma_start3A_369 = arith.constant 0 : i32
        %dma_start3A_370 = arith.constant 0 : i32
        %dma_start3A_371 = tpu.memref_slice %arg10[%dma_start3A_369, %dma_start3A_370] : memref<2x80xi32, #tpu.memory_space<vmem>> -> memref<1x80xi32, #tpu.memory_space<vmem>>
        %dma_start3A_372 = tpu.memref_squeeze %dma_start3A_371 : memref<1x80xi32, #tpu.memory_space<vmem>> -> memref<80xi32, #tpu.memory_space<vmem>>
        %dma_start3A_373 = tpu.memref_slice %arg5[%multiple_of3A_368] : memref<640000xi32, #tpu.memory_space<hbm>> -> memref<80xi32, #tpu.memory_space<hbm>>
        %dma_start3A_374 = arith.constant 0 : i32
        %dma_start3A_375 = tpu.memref_slice %arg10[%dma_start3A_369, %dma_start3A_374] : memref<2x80xi32, #tpu.memory_space<vmem>> -> memref<1x80xi32, #tpu.memory_space<vmem>>
        %dma_start3A_376 = tpu.memref_squeeze %dma_start3A_375 : memref<1x80xi32, #tpu.memory_space<vmem>> -> memref<80xi32, #tpu.memory_space<vmem>>
        %dma_start3A_377 = tpu.memref_slice %arg5[%multiple_of3A_368] : memref<640000xi32, #tpu.memory_space<hbm>> -> memref<80xi32, #tpu.memory_space<hbm>>
        tpu.enqueue_dma source(%dma_start3A_377 : memref<80xi32, #tpu.memory_space<hbm>>) target(%dma_start3A_376 : memref<80xi32, #tpu.memory_space<vmem>>) target_semaphore(%arg21 : memref<!tpu.dma_semaphore, #tpu.memory_space<semaphore_mem>>)
      } else {
      }
      %add3A_272 = arith.constant 2 : i32
      %add3A_273 = arith.addi %add3A_203, %add3A_272 : i32
      %lt3A_274 = arith.constant 250 : i32
      %lt3A_275 = arith.cmpi slt, %add3A_273, %lt3A_274 : i32
      %convert_element_type3A_276 = arith.extui %lt3A_275 : i1 to i32
      %cond3A_277 = arith.constant 0 : i32
      %cond3A_278 = arith.cmpi ne, %convert_element_type3A_276, %cond3A_277 : i32
      scf.if %cond3A_278 {
        %add3A_361 = arith.constant 2 : i32
        %add3A_362 = arith.addi %add3A_203, %add3A_361 : i32
        %mul3A_363 = arith.constant 40 : i32
        %mul3A_364 = arith.muli %add3A_362, %mul3A_363 : i32
        %add3A_365 = arith.addi %mul3A_37, %mul3A_364 : i32
        %multiple_of3A_366 = tpu.assume_multiple %add3A_365, 8 : i32
        %dma_start3A_367 = arith.constant 0 : i32
        %dma_start3A_368 = arith.constant 0 : i32
        %dma_start3A_369 = tpu.memref_slice %arg11[%dma_start3A_367, %dma_start3A_368] : memref<2x56xf32, #tpu.memory_space<vmem>> -> memref<1x40xf32, #tpu.memory_space<vmem>>
        %dma_start3A_370 = tpu.memref_squeeze %dma_start3A_369 : memref<1x40xf32, #tpu.memory_space<vmem>> -> memref<40xf32, #tpu.memory_space<vmem>>
        %dma_start3A_371 = tpu.memref_slice %arg6[%multiple_of3A_366] : memref<320000xf32, #tpu.memory_space<hbm>> -> memref<40xf32, #tpu.memory_space<hbm>>
        %dma_start3A_372 = arith.constant 0 : i32
        %dma_start3A_373 = tpu.memref_slice %arg11[%dma_start3A_367, %dma_start3A_372] : memref<2x56xf32, #tpu.memory_space<vmem>> -> memref<1x40xf32, #tpu.memory_space<vmem>>
        %dma_start3A_374 = tpu.memref_squeeze %dma_start3A_373 : memref<1x40xf32, #tpu.memory_space<vmem>> -> memref<40xf32, #tpu.memory_space<vmem>>
        %dma_start3A_375 = tpu.memref_slice %arg6[%multiple_of3A_366] : memref<320000xf32, #tpu.memory_space<hbm>> -> memref<40xf32, #tpu.memory_space<hbm>>
        tpu.enqueue_dma source(%dma_start3A_375 : memref<40xf32, #tpu.memory_space<hbm>>) target(%dma_start3A_374 : memref<40xf32, #tpu.memory_space<vmem>>) target_semaphore(%arg21 : memref<!tpu.dma_semaphore, #tpu.memory_space<semaphore_mem>>)
      } else {
      }
      %mul3A_279 = arith.constant 2 : i32
      %mul3A_280 = arith.muli %mul3A_279, %scan3A_199 : i32
      %add3A_281 = arith.constant 1 : i32
      %add3A_282 = arith.addi %mul3A_280, %add3A_281 : i32
      %dma_wait3A_283 = arith.constant 1 : i32
      %dma_wait3A_284 = arith.constant 1 : i32
      %dma_wait3A_285 = arith.constant 0 : i32
      %dma_wait3A_286 = arith.constant 0 : i32
      %dma_wait3A_287 = tpu.memref_slice %arg13[%dma_wait3A_284, %dma_wait3A_285, %dma_wait3A_286] : memref<2x40x128xf32, #tpu.memory_space<vmem>> -> memref<1x40x128xf32, #tpu.memory_space<vmem>>
      %dma_wait3A_288 = tpu.memref_squeeze %dma_wait3A_287 : memref<1x40x128xf32, #tpu.memory_space<vmem>> -> memref<40x128xf32, #tpu.memory_space<vmem>>
      %dma_wait3A_289 = arith.constant 0 : i32
      %dma_wait3A_290 = tpu.memref_slice %arg10[%dma_wait3A_283, %dma_wait3A_289] : memref<2x80xi32, #tpu.memory_space<vmem>> -> memref<1x40xi32, #tpu.memory_space<vmem>>
      %dma_wait3A_291 = tpu.memref_squeeze %dma_wait3A_290 : memref<1x40xi32, #tpu.memory_space<vmem>> -> memref<40xi32, #tpu.memory_space<vmem>>
      %dma_wait3A_292 = arith.constant 0 : i32
      %dma_wait3A_293 = arith.constant 0 : i32
      %dma_wait3A_294 = tpu.memref_slice %arg2[%dma_wait3A_292, %dma_wait3A_293] : memref<10000x128xf32, #tpu.memory_space<hbm>> -> memref<10000x128xf32, #tpu.memory_space<hbm>>
      tpu.wait_indirect_dma semaphore(%arg20 : memref<!tpu.dma_semaphore, #tpu.memory_space<semaphore_mem>>) src(%dma_wait3A_294 : memref<10000x128xf32, #tpu.memory_space<hbm>>) dst(%dma_wait3A_288 : memref<40x128xf32, #tpu.memory_space<vmem>>)
      %dma_wait3A_295 = arith.constant 1 : i32
      %dma_wait3A_296 = arith.constant 1 : i32
      %dma_wait3A_297 = arith.constant 0 : i32
      %dma_wait3A_298 = arith.constant 0 : i32
      %dma_wait3A_299 = tpu.memref_slice %arg14[%dma_wait3A_296, %dma_wait3A_297, %dma_wait3A_298] : memref<2x40x128xf32, #tpu.memory_space<vmem>> -> memref<1x40x128xf32, #tpu.memory_space<vmem>>
      %dma_wait3A_300 = tpu.memref_squeeze %dma_wait3A_299 : memref<1x40x128xf32, #tpu.memory_space<vmem>> -> memref<40x128xf32, #tpu.memory_space<vmem>>
      %dma_wait3A_301 = arith.constant 40 : i32
      %dma_wait3A_302 = tpu.memref_slice %arg10[%dma_wait3A_295, %dma_wait3A_301] : memref<2x80xi32, #tpu.memory_space<vmem>> -> memref<1x40xi32, #tpu.memory_space<vmem>>
      %dma_wait3A_303 = tpu.memref_squeeze %dma_wait3A_302 : memref<1x40xi32, #tpu.memory_space<vmem>> -> memref<40xi32, #tpu.memory_space<vmem>>
      %dma_wait3A_304 = arith.constant 0 : i32
      %dma_wait3A_305 = arith.constant 0 : i32
      %dma_wait3A_306 = tpu.memref_slice %arg3[%dma_wait3A_304, %dma_wait3A_305] : memref<10000x128xf32, #tpu.memory_space<hbm>> -> memref<10000x128xf32, #tpu.memory_space<hbm>>
      tpu.wait_indirect_dma semaphore(%arg20 : memref<!tpu.dma_semaphore, #tpu.memory_space<semaphore_mem>>) src(%dma_wait3A_306 : memref<10000x128xf32, #tpu.memory_space<hbm>>) dst(%dma_wait3A_300 : memref<40x128xf32, #tpu.memory_space<vmem>>)
      %get3A_307 = arith.constant 1 : i32
      %get3A_308 = arith.index_cast %get3A_307 : i32 to index
      %get3A_309 = arith.constant 0 : index
      %get3A_310 = tpu.vector_load %arg10[%get3A_308, %get3A_309] {strides = array<i32>} : memref<2x80xi32, #tpu.memory_space<vmem>>, vector<1x16xi32>,
      %get3A_311 = vector.shape_cast %get3A_310 : vector<1x16xi32> to vector<16xi32>
      %swap3A_312 = arith.constant 1 : i32
      %swap3A_313 = arith.index_cast %swap3A_312 : i32 to index
      %swap3A_314 = arith.constant 0 : index
      %swap3A_315 = tpu.vector_load %arg12[%swap3A_313, %swap3A_314] {strides = array<i32>} : memref<2x40xi32, #tpu.memory_space<vmem>>, vector<1x16xi32>,
      %swap3A_316 = vector.shape_cast %swap3A_315 : vector<1x16xi32> to vector<16xi32>
      %swap3A_317 = vector.shape_cast %get3A_311 : vector<16xi32> to vector<1x16xi32>
      tpu.vector_store %arg12[%swap3A_313, %swap3A_314], %swap3A_317 {strides = array<i32>} : memref<2x40xi32, #tpu.memory_space<vmem>>, vector<1x16xi32>,
      %get3A_318 = arith.constant 1 : i32
      %get3A_319 = arith.index_cast %get3A_318 : i32 to index
      %get3A_320 = arith.constant 16 : index
      %get3A_321 = tpu.vector_load %arg10[%get3A_319, %get3A_320] {strides = array<i32>} : memref<2x80xi32, #tpu.memory_space<vmem>>, vector<1x16xi32>,
      %get3A_322 = vector.shape_cast %get3A_321 : vector<1x16xi32> to vector<16xi32>
      %swap3A_323 = arith.constant 1 : i32
      %swap3A_324 = arith.index_cast %swap3A_323 : i32 to index
      %swap3A_325 = arith.constant 16 : index
      %swap3A_326 = tpu.vector_load %arg12[%swap3A_324, %swap3A_325] {strides = array<i32>} : memref<2x40xi32, #tpu.memory_space<vmem>>, vector<1x16xi32>,
      %swap3A_327 = vector.shape_cast %swap3A_326 : vector<1x16xi32> to vector<16xi32>
      %swap3A_328 = vector.shape_cast %get3A_322 : vector<16xi32> to vector<1x16xi32>
      tpu.vector_store %arg12[%swap3A_324, %swap3A_325], %swap3A_328 {strides = array<i32>} : memref<2x40xi32, #tpu.memory_space<vmem>>, vector<1x16xi32>,
      %get3A_329 = arith.constant 1 : i32
      %get3A_330 = arith.index_cast %get3A_329 : i32 to index
      %get3A_331 = arith.constant 24 : index
      %get3A_332 = tpu.vector_load %arg10[%get3A_330, %get3A_331] {strides = array<i32>} : memref<2x80xi32, #tpu.memory_space<vmem>>, vector<1x16xi32>,
      %get3A_333 = vector.shape_cast %get3A_332 : vector<1x16xi32> to vector<16xi32>
      %swap3A_334 = arith.constant 1 : i32
      %swap3A_335 = arith.index_cast %swap3A_334 : i32 to index
      %swap3A_336 = arith.constant 24 : index
      %swap3A_337 = tpu.vector_load %arg12[%swap3A_335, %swap3A_336] {strides = array<i32>} : memref<2x40xi32, #tpu.memory_space<vmem>>, vector<1x16xi32>,
      %swap3A_338 = vector.shape_cast %swap3A_337 : vector<1x16xi32> to vector<16xi32>
      %swap3A_339 = vector.shape_cast %get3A_333 : vector<16xi32> to vector<1x16xi32>
      tpu.vector_store %arg12[%swap3A_335, %swap3A_336], %swap3A_339 {strides = array<i32>} : memref<2x40xi32, #tpu.memory_space<vmem>>, vector<1x16xi32>,
      %add3A_340 = arith.constant 1 : i32
      %add3A_341 = arith.addi %add3A_282, %add3A_340 : i32
      %lt3A_342 = arith.constant 250 : i32
      %lt3A_343 = arith.cmpi slt, %add3A_341, %lt3A_342 : i32
      %convert_element_type3A_344 = arith.extui %lt3A_343 : i1 to i32
      %cond3A_345 = arith.constant 0 : i32
      %cond3A_346 = arith.cmpi ne, %convert_element_type3A_344, %cond3A_345 : i32
      scf.if %cond3A_346 {
        %dma_wait3A_361 = arith.constant 0 : i32
        %dma_wait3A_362 = arith.constant 0 : i32
        %dma_wait3A_363 = tpu.memref_slice %arg10[%dma_wait3A_361, %dma_wait3A_362] : memref<2x80xi32, #tpu.memory_space<vmem>> -> memref<1x80xi32, #tpu.memory_space<vmem>>
        %dma_wait3A_364 = tpu.memref_squeeze %dma_wait3A_363 : memref<1x80xi32, #tpu.memory_space<vmem>> -> memref<80xi32, #tpu.memory_space<vmem>>
        %dma_wait3A_365 = arith.constant 0 : i32
        %dma_wait3A_366 = tpu.memref_slice %arg5[%dma_wait3A_365] : memref<640000xi32, #tpu.memory_space<hbm>> -> memref<80xi32, #tpu.memory_space<hbm>>
        %dma_wait3A_367 = arith.constant 0 : i32
        %dma_wait3A_368 = tpu.memref_slice %arg10[%dma_wait3A_361, %dma_wait3A_367] : memref<2x80xi32, #tpu.memory_space<vmem>> -> memref<1x80xi32, #tpu.memory_space<vmem>>
        %dma_wait3A_369 = tpu.memref_squeeze %dma_wait3A_368 : memref<1x80xi32, #tpu.memory_space<vmem>> -> memref<80xi32, #tpu.memory_space<vmem>>
        %dma_wait3A_370 = arith.constant 0 : i32
        %dma_wait3A_371 = tpu.memref_slice %arg5[%dma_wait3A_370] : memref<640000xi32, #tpu.memory_space<hbm>> -> memref<80xi32, #tpu.memory_space<hbm>>
        tpu.wait_dma2 semaphore(%arg21 : memref<!tpu.dma_semaphore, #tpu.memory_space<semaphore_mem>>) src(%dma_wait3A_371 : memref<80xi32, #tpu.memory_space<hbm>>) dst(%dma_wait3A_369 : memref<80xi32, #tpu.memory_space<vmem>>)
        %dma_wait3A_372 = arith.constant 0 : i32
        %dma_wait3A_373 = arith.constant 0 : i32
        %dma_wait3A_374 = tpu.memref_slice %arg11[%dma_wait3A_372, %dma_wait3A_373] : memref<2x56xf32, #tpu.memory_space<vmem>> -> memref<1x40xf32, #tpu.memory_space<vmem>>
        %dma_wait3A_375 = tpu.memref_squeeze %dma_wait3A_374 : memref<1x40xf32, #tpu.memory_space<vmem>> -> memref<40xf32, #tpu.memory_space<vmem>>
        %dma_wait3A_376 = arith.constant 0 : i32
        %dma_wait3A_377 = tpu.memref_slice %arg6[%dma_wait3A_376] : memref<320000xf32, #tpu.memory_space<hbm>> -> memref<40xf32, #tpu.memory_space<hbm>>
        %dma_wait3A_378 = arith.constant 0 : i32
        %dma_wait3A_379 = tpu.memref_slice %arg11[%dma_wait3A_372, %dma_wait3A_378] : memref<2x56xf32, #tpu.memory_space<vmem>> -> memref<1x40xf32, #tpu.memory_space<vmem>>
        %dma_wait3A_380 = tpu.memref_squeeze %dma_wait3A_379 : memref<1x40xf32, #tpu.memory_space<vmem>> -> memref<40xf32, #tpu.memory_space<vmem>>
        %dma_wait3A_381 = arith.constant 0 : i32
        %dma_wait3A_382 = tpu.memref_slice %arg6[%dma_wait3A_381] : memref<320000xf32, #tpu.memory_space<hbm>> -> memref<40xf32, #tpu.memory_space<hbm>>
        tpu.wait_dma2 semaphore(%arg21 : memref<!tpu.dma_semaphore, #tpu.memory_space<semaphore_mem>>) src(%dma_wait3A_382 : memref<40xf32, #tpu.memory_space<hbm>>) dst(%dma_wait3A_380 : memref<40xf32, #tpu.memory_space<vmem>>)
        %dma_start3A_383 = arith.constant 0 : i32
        %dma_start3A_384 = arith.constant 0 : i32
        %dma_start3A_385 = arith.constant 0 : i32
        %dma_start3A_386 = arith.constant 0 : i32
        %dma_start3A_387 = tpu.memref_slice %arg13[%dma_start3A_384, %dma_start3A_385, %dma_start3A_386] : memref<2x40x128xf32, #tpu.memory_space<vmem>> -> memref<1x40x128xf32, #tpu.memory_space<vmem>>
        %dma_start3A_388 = tpu.memref_squeeze %dma_start3A_387 : memref<1x40x128xf32, #tpu.memory_space<vmem>> -> memref<40x128xf32, #tpu.memory_space<vmem>>
        %dma_start3A_389 = arith.constant 0 : i32
        %dma_start3A_390 = tpu.memref_slice %arg10[%dma_start3A_383, %dma_start3A_389] : memref<2x80xi32, #tpu.memory_space<vmem>> -> memref<1x40xi32, #tpu.memory_space<vmem>>
        %dma_start3A_391 = tpu.memref_squeeze %dma_start3A_390 : memref<1x40xi32, #tpu.memory_space<vmem>> -> memref<40xi32, #tpu.memory_space<vmem>>
        %dma_start3A_392 = arith.constant 0 : i32
        %dma_start3A_393 = arith.constant 0 : i32
        %dma_start3A_394 = tpu.memref_slice %arg2[%dma_start3A_392, %dma_start3A_393] : memref<10000x128xf32, #tpu.memory_space<hbm>> -> memref<10000x128xf32, #tpu.memory_space<hbm>>
        tpu.enqueue_indirect_dma source(%dma_start3A_394 : memref<10000x128xf32, #tpu.memory_space<hbm>>) target(%dma_start3A_388 : memref<40x128xf32, #tpu.memory_space<vmem>>) offsets(%dma_start3A_391 : memref<40xi32, #tpu.memory_space<vmem>>) semaphore(%arg20 : memref<!tpu.dma_semaphore, #tpu.memory_space<semaphore_mem>>)
        %dma_start3A_395 = arith.constant 0 : i32
        %dma_start3A_396 = arith.constant 0 : i32
        %dma_start3A_397 = arith.constant 0 : i32
        %dma_start3A_398 = arith.constant 0 : i32
        %dma_start3A_399 = tpu.memref_slice %arg14[%dma_start3A_396, %dma_start3A_397, %dma_start3A_398] : memref<2x40x128xf32, #tpu.memory_space<vmem>> -> memref<1x40x128xf32, #tpu.memory_space<vmem>>
        %dma_start3A_400 = tpu.memref_squeeze %dma_start3A_399 : memref<1x40x128xf32, #tpu.memory_space<vmem>> -> memref<40x128xf32, #tpu.memory_space<vmem>>
        %dma_start3A_401 = arith.constant 40 : i32
        %dma_start3A_402 = tpu.memref_slice %arg10[%dma_start3A_395, %dma_start3A_401] : memref<2x80xi32, #tpu.memory_space<vmem>> -> memref<1x40xi32, #tpu.memory_space<vmem>>
        %dma_start3A_403 = tpu.memref_squeeze %dma_start3A_402 : memref<1x40xi32, #tpu.memory_space<vmem>> -> memref<40xi32, #tpu.memory_space<vmem>>
        %dma_start3A_404 = arith.constant 0 : i32
        %dma_start3A_405 = arith.constant 0 : i32
        %dma_start3A_406 = tpu.memref_slice %arg3[%dma_start3A_404, %dma_start3A_405] : memref<10000x128xf32, #tpu.memory_space<hbm>> -> memref<10000x128xf32, #tpu.memory_space<hbm>>
        tpu.enqueue_indirect_dma source(%dma_start3A_406 : memref<10000x128xf32, #tpu.memory_space<hbm>>) target(%dma_start3A_400 : memref<40x128xf32, #tpu.memory_space<vmem>>) offsets(%dma_start3A_403 : memref<40xi32, #tpu.memory_space<vmem>>) semaphore(%arg20 : memref<!tpu.dma_semaphore, #tpu.memory_space<semaphore_mem>>)
      } else {
      }
      %add3A_347 = arith.constant 2 : i32
      %add3A_348 = arith.addi %add3A_282, %add3A_347 : i32
      %lt3A_349 = arith.constant 250 : i32
      %lt3A_350 = arith.cmpi slt, %add3A_348, %lt3A_349 : i32
      %convert_element_type3A_351 = arith.extui %lt3A_350 : i1 to i32
      %cond3A_352 = arith.constant 0 : i32
      %cond3A_353 = arith.cmpi ne, %convert_element_type3A_351, %cond3A_352 : i32
      scf.if %cond3A_353 {
        %add3A_361 = arith.constant 2 : i32
        %add3A_362 = arith.addi %add3A_282, %add3A_361 : i32
        %add3A_363 = arith.addi %mul3A_39, %add3A_362 : i32
        %mul3A_364 = arith.constant 2 : i32
        %mul3A_365 = arith.muli %add3A_363, %mul3A_364 : i32
        %mul3A_366 = arith.constant 40 : i32
        %mul3A_367 = arith.muli %mul3A_365, %mul3A_366 : i32
        %multiple_of3A_368 = tpu.assume_multiple %mul3A_367, 8 : i32
        %dma_start3A_369 = arith.constant 1 : i32
        %dma_start3A_370 = arith.constant 0 : i32
        %dma_start3A_371 = tpu.memref_slice %arg10[%dma_start3A_369, %dma_start3A_370] : memref<2x80xi32, #tpu.memory_space<vmem>> -> memref<1x80xi32, #tpu.memory_space<vmem>>
        %dma_start3A_372 = tpu.memref_squeeze %dma_start3A_371 : memref<1x80xi32, #tpu.memory_space<vmem>> -> memref<80xi32, #tpu.memory_space<vmem>>
        %dma_start3A_373 = tpu.memref_slice %arg5[%multiple_of3A_368] : memref<640000xi32, #tpu.memory_space<hbm>> -> memref<80xi32, #tpu.memory_space<hbm>>
        %dma_start3A_374 = arith.constant 0 : i32
        %dma_start3A_375 = tpu.memref_slice %arg10[%dma_start3A_369, %dma_start3A_374] : memref<2x80xi32, #tpu.memory_space<vmem>> -> memref<1x80xi32, #tpu.memory_space<vmem>>
        %dma_start3A_376 = tpu.memref_squeeze %dma_start3A_375 : memref<1x80xi32, #tpu.memory_space<vmem>> -> memref<80xi32, #tpu.memory_space<vmem>>
        %dma_start3A_377 = tpu.memref_slice %arg5[%multiple_of3A_368] : memref<640000xi32, #tpu.memory_space<hbm>> -> memref<80xi32, #tpu.memory_space<hbm>>
        tpu.enqueue_dma source(%dma_start3A_377 : memref<80xi32, #tpu.memory_space<hbm>>) target(%dma_start3A_376 : memref<80xi32, #tpu.memory_space<vmem>>) target_semaphore(%arg22 : memref<!tpu.dma_semaphore, #tpu.memory_space<semaphore_mem>>)
      } else {
      }
      %add3A_354 = arith.constant 2 : i32
      %add3A_355 = arith.addi %add3A_282, %add3A_354 : i32
      %lt3A_356 = arith.constant 250 : i32
      %lt3A_357 = arith.cmpi slt, %add3A_355, %lt3A_356 : i32
      %convert_element_type3A_358 = arith.extui %lt3A_357 : i1 to i32
      %cond3A_359 = arith.constant 0 : i32
      %cond3A_360 = arith.cmpi ne, %convert_element_type3A_358, %cond3A_359 : i32
      scf.if %cond3A_360 {
        %add3A_361 = arith.constant 2 : i32
        %add3A_362 = arith.addi %add3A_282, %add3A_361 : i32
        %mul3A_363 = arith.constant 40 : i32
        %mul3A_364 = arith.muli %add3A_362, %mul3A_363 : i32
        %add3A_365 = arith.addi %mul3A_37, %mul3A_364 : i32
        %multiple_of3A_366 = tpu.assume_multiple %add3A_365, 8 : i32
        %dma_start3A_367 = arith.constant 1 : i32
        %dma_start3A_368 = arith.constant 0 : i32
        %dma_start3A_369 = tpu.memref_slice %arg11[%dma_start3A_367, %dma_start3A_368] : memref<2x56xf32, #tpu.memory_space<vmem>> -> memref<1x40xf32, #tpu.memory_space<vmem>>
        %dma_start3A_370 = tpu.memref_squeeze %dma_start3A_369 : memref<1x40xf32, #tpu.memory_space<vmem>> -> memref<40xf32, #tpu.memory_space<vmem>>
        %dma_start3A_371 = tpu.memref_slice %arg6[%multiple_of3A_366] : memref<320000xf32, #tpu.memory_space<hbm>> -> memref<40xf32, #tpu.memory_space<hbm>>
        %dma_start3A_372 = arith.constant 0 : i32
        %dma_start3A_373 = tpu.memref_slice %arg11[%dma_start3A_367, %dma_start3A_372] : memref<2x56xf32, #tpu.memory_space<vmem>> -> memref<1x40xf32, #tpu.memory_space<vmem>>
        %dma_start3A_374 = tpu.memref_squeeze %dma_start3A_373 : memref<1x40xf32, #tpu.memory_space<vmem>> -> memref<40xf32, #tpu.memory_space<vmem>>
        %dma_start3A_375 = tpu.memref_slice %arg6[%multiple_of3A_366] : memref<320000xf32, #tpu.memory_space<hbm>> -> memref<40xf32, #tpu.memory_space<hbm>>
        tpu.enqueue_dma source(%dma_start3A_375 : memref<40xf32, #tpu.memory_space<hbm>>) target(%dma_start3A_374 : memref<40xf32, #tpu.memory_space<vmem>>) target_semaphore(%arg22 : memref<!tpu.dma_semaphore, #tpu.memory_space<semaphore_mem>>)
      } else {
      }
    }
    %scan3A_159 = arith.constant 125 : i32
    %swap3A = arith.constant 0 : index
    %swap3A_160 = tpu.vector_load %arg18[%swap3A] {strides = array<i32>} : memref<128xf32, #tpu.memory_space<vmem>>, vector<16xf32>,
    %swap3A_161 = vector.shape_cast %swap3A_160 : vector<16xf32> to vector<16xf32>
    %swap3A_162 = vector.shape_cast %broadcast_in_dim3A_140 : vector<16xf32> to vector<16xf32>
    tpu.vector_store %arg18[%swap3A], %swap3A_162 {strides = array<i32>} : memref<128xf32, #tpu.memory_space<vmem>>, vector<16xf32>,
    %swap3A_163 = arith.constant 16 : index
    %swap3A_164 = tpu.vector_load %arg18[%swap3A_163] {strides = array<i32>} : memref<128xf32, #tpu.memory_space<vmem>>, vector<16xf32>,
    %swap3A_165 = vector.shape_cast %swap3A_164 : vector<16xf32> to vector<16xf32>
    %swap3A_166 = vector.shape_cast %broadcast_in_dim3A_142 : vector<16xf32> to vector<16xf32>
    tpu.vector_store %arg18[%swap3A_163], %swap3A_166 {strides = array<i32>} : memref<128xf32, #tpu.memory_space<vmem>>, vector<16xf32>,
    %swap3A_167 = arith.constant 32 : index
    %swap3A_168 = tpu.vector_load %arg18[%swap3A_167] {strides = array<i32>} : memref<128xf32, #tpu.memory_space<vmem>>, vector<16xf32>,
    %swap3A_169 = vector.shape_cast %swap3A_168 : vector<16xf32> to vector<16xf32>
    %swap3A_170 = vector.shape_cast %broadcast_in_dim3A_144 : vector<16xf32> to vector<16xf32>
    tpu.vector_store %arg18[%swap3A_167], %swap3A_170 {strides = array<i32>} : memref<128xf32, #tpu.memory_space<vmem>>, vector<16xf32>,
    %swap3A_171 = arith.constant 48 : index
    %swap3A_172 = tpu.vector_load %arg18[%swap3A_171] {strides = array<i32>} : memref<128xf32, #tpu.memory_space<vmem>>, vector<16xf32>,
    %swap3A_173 = vector.shape_cast %swap3A_172 : vector<16xf32> to vector<16xf32>
    %swap3A_174 = vector.shape_cast %broadcast_in_dim3A_146 : vector<16xf32> to vector<16xf32>
    tpu.vector_store %arg18[%swap3A_171], %swap3A_174 {strides = array<i32>} : memref<128xf32, #tpu.memory_space<vmem>>, vector<16xf32>,
    %swap3A_175 = arith.constant 64 : index
    %swap3A_176 = tpu.vector_load %arg18[%swap3A_175] {strides = array<i32>} : memref<128xf32, #tpu.memory_space<vmem>>, vector<16xf32>,
    %swap3A_177 = vector.shape_cast %swap3A_176 : vector<16xf32> to vector<16xf32>
    %swap3A_178 = vector.shape_cast %broadcast_in_dim3A_148 : vector<16xf32> to vector<16xf32>
    tpu.vector_store %arg18[%swap3A_175], %swap3A_178 {strides = array<i32>} : memref<128xf32, #tpu.memory_space<vmem>>, vector<16xf32>,
    %swap3A_179 = arith.constant 80 : index
    %swap3A_180 = tpu.vector_load %arg18[%swap3A_179] {strides = array<i32>} : memref<128xf32, #tpu.memory_space<vmem>>, vector<16xf32>,
    %swap3A_181 = vector.shape_cast %swap3A_180 : vector<16xf32> to vector<16xf32>
    %swap3A_182 = vector.shape_cast %broadcast_in_dim3A_150 : vector<16xf32> to vector<16xf32>
    tpu.vector_store %arg18[%swap3A_179], %swap3A_182 {strides = array<i32>} : memref<128xf32, #tpu.memory_space<vmem>>, vector<16xf32>,
    %swap3A_183 = arith.constant 96 : index
    %swap3A_184 = tpu.vector_load %arg18[%swap3A_183] {strides = array<i32>} : memref<128xf32, #tpu.memory_space<vmem>>, vector<16xf32>,
    %swap3A_185 = vector.shape_cast %swap3A_184 : vector<16xf32> to vector<16xf32>
    %swap3A_186 = vector.shape_cast %broadcast_in_dim3A_152 : vector<16xf32> to vector<16xf32>
    tpu.vector_store %arg18[%swap3A_183], %swap3A_186 {strides = array<i32>} : memref<128xf32, #tpu.memory_space<vmem>>, vector<16xf32>,
    %swap3A_187 = arith.constant 112 : index
    %swap3A_188 = tpu.vector_load %arg18[%swap3A_187] {strides = array<i32>} : memref<128xf32, #tpu.memory_space<vmem>>, vector<16xf32>,
    %swap3A_189 = vector.shape_cast %swap3A_188 : vector<16xf32> to vector<16xf32>
    %swap3A_190 = vector.shape_cast %broadcast_in_dim3A_154 : vector<16xf32> to vector<16xf32>
    tpu.vector_store %arg18[%swap3A_187], %swap3A_190 {strides = array<i32>} : memref<128xf32, #tpu.memory_space<vmem>>, vector<16xf32>,
    %run_scoped3A_191 = arith.constant 0 : i32
    "tpu.region"() ({
      %run_scoped3A_199 = tpu.sem_alloc : memref<!tpu.dma_semaphore, #tpu.memory_space<semaphore_mem>>
      %dma_start3A_200 = arith.constant 0 : i32
      %dma_start3A_201 = tpu.memref_slice %arg9[%add3A, %run_scoped3A_191, %dma_start3A_200] : memref<32x8x128xf32, #tpu.memory_space<hbm>> -> memref<1x1x128xf32, #tpu.memory_space<hbm>>
      %dma_start3A_202 = tpu.memref_squeeze %dma_start3A_201 : memref<1x1x128xf32, #tpu.memory_space<hbm>> -> memref<128xf32, #tpu.memory_space<hbm>>
      %dma_start3A_203 = arith.constant 0 : i32
      %dma_start3A_204 = tpu.memref_slice %arg9[%add3A, %run_scoped3A_191, %dma_start3A_203] : memref<32x8x128xf32, #tpu.memory_space<hbm>> -> memref<1x1x128xf32, #tpu.memory_space<hbm>>
      %dma_start3A_205 = tpu.memref_squeeze %dma_start3A_204 : memref<1x1x128xf32, #tpu.memory_space<hbm>> -> memref<128xf32, #tpu.memory_space<hbm>>
      tpu.enqueue_dma source(%arg18 : memref<128xf32, #tpu.memory_space<vmem>>) target(%dma_start3A_205 : memref<128xf32, #tpu.memory_space<hbm>>) target_semaphore(%run_scoped3A_199 : memref<!tpu.dma_semaphore, #tpu.memory_space<semaphore_mem>>)
      %dma_wait3A_206 = arith.constant 0 : i32
      %dma_wait3A_207 = tpu.memref_slice %arg9[%add3A, %run_scoped3A_191, %dma_wait3A_206] : memref<32x8x128xf32, #tpu.memory_space<hbm>> -> memref<1x1x128xf32, #tpu.memory_space<hbm>>
      %dma_wait3A_208 = tpu.memref_squeeze %dma_wait3A_207 : memref<1x1x128xf32, #tpu.memory_space<hbm>> -> memref<128xf32, #tpu.memory_space<hbm>>
      %dma_wait3A_209 = arith.constant 0 : i32
      %dma_wait3A_210 = tpu.memref_slice %arg9[%add3A, %run_scoped3A_191, %dma_wait3A_209] : memref<32x8x128xf32, #tpu.memory_space<hbm>> -> memref<1x1x128xf32, #tpu.memory_space<hbm>>
      %dma_wait3A_211 = tpu.memref_squeeze %dma_wait3A_210 : memref<1x1x128xf32, #tpu.memory_space<hbm>> -> memref<128xf32, #tpu.memory_space<hbm>>
      tpu.wait_dma2 semaphore(%run_scoped3A_199 : memref<!tpu.dma_semaphore, #tpu.memory_space<semaphore_mem>>) src(%arg18 : memref<128xf32, #tpu.memory_space<vmem>>) dst(%dma_wait3A_211 : memref<128xf32, #tpu.memory_space<hbm>>)
      tpu.yield
    }) : () -> ()
    %barrier3A_192 = arith.constant 0 : index
    tpu.barrier barrier_id(%barrier3A_192)
    %scan3A_193 = arith.constant 0 : i32
    %scan3A_194 = arith.constant 0 : i32
    %scan3A_195 = arith.constant 16 : i32
    %scan3A_196 = arith.addi %scan3A_194, %scan3A_195 : i32
    %scan3A_197 = arith.constant 1 : i32
    scf.for %scan3A_199 = %scan3A_194 to %scan3A_196 step %scan3A_197  : i32 {
      %mul3A_200 = arith.constant 16 : i32
      %mul3A_201 = arith.muli %scan3A_199, %mul3A_200 : i32
      %add3A_202 = arith.addi %arg1, %mul3A_201 : i32
      %lt3A = arith.constant 250 : i32
      %lt3A_203 = arith.cmpi slt, %add3A_202, %lt3A : i32
      %convert_element_type3A = arith.extui %lt3A_203 : i1 to i32
      %cond3A = arith.constant 0 : i32
      %cond3A_204 = arith.cmpi ne, %convert_element_type3A, %cond3A : i32
      scf.if %cond3A_204 {
        %mul3A_205 = arith.constant 40 : i32
        %mul3A_206 = arith.muli %add3A_202, %mul3A_205 : i32
        %multiple_of3A_207 = tpu.assume_multiple %mul3A_206, 8 : i32
        %run_scoped3A_208 = arith.constant 0 : i32
        "tpu.region"() ({
          %run_scoped3A_210 = tpu.sem_alloc : memref<!tpu.dma_semaphore, #tpu.memory_space<semaphore_mem>>
          %dma_start3A_211 = arith.constant 0 : i32
          %dma_start3A_212 = arith.constant 0 : i32
          %dma_start3A_213 = tpu.memref_slice %arg16[%run_scoped3A_208, %dma_start3A_211, %dma_start3A_212] : memref<2x40x128xf32, #tpu.memory_space<vmem>> -> memref<1x40x128xf32, #tpu.memory_space<vmem>>
          %dma_start3A_214 = tpu.memref_squeeze %dma_start3A_213 : memref<1x40x128xf32, #tpu.memory_space<vmem>> -> memref<40x128xf32, #tpu.memory_space<vmem>>
          %dma_start3A_215 = arith.constant 0 : i32
          %dma_start3A_216 = tpu.memref_slice %arg19[%multiple_of3A_207, %dma_start3A_215] : memref<10000x128xf32, #tpu.memory_space<vmem_shared>> -> memref<40x128xf32, #tpu.memory_space<vmem_shared>>
          %dma_start3A_217 = arith.constant 0 : i32
          %dma_start3A_218 = arith.constant 0 : i32
          %dma_start3A_219 = tpu.memref_slice %arg16[%run_scoped3A_208, %dma_start3A_217, %dma_start3A_218] : memref<2x40x128xf32, #tpu.memory_space<vmem>> -> memref<1x40x128xf32, #tpu.memory_space<vmem>>
          %dma_start3A_220 = tpu.memref_squeeze %dma_start3A_219 : memref<1x40x128xf32, #tpu.memory_space<vmem>> -> memref<40x128xf32, #tpu.memory_space<vmem>>
          %dma_start3A_221 = arith.constant 0 : i32
          %dma_start3A_222 = tpu.memref_slice %arg19[%multiple_of3A_207, %dma_start3A_221] : memref<10000x128xf32, #tpu.memory_space<vmem_shared>> -> memref<40x128xf32, #tpu.memory_space<vmem_shared>>
          tpu.enqueue_dma source(%dma_start3A_222 : memref<40x128xf32, #tpu.memory_space<vmem_shared>>) target(%dma_start3A_220 : memref<40x128xf32, #tpu.memory_space<vmem>>) target_semaphore(%run_scoped3A_210 : memref<!tpu.dma_semaphore, #tpu.memory_space<semaphore_mem>>)
          %dma_wait3A_223 = arith.constant 0 : i32
          %dma_wait3A_224 = arith.constant 0 : i32
          %dma_wait3A_225 = tpu.memref_slice %arg16[%run_scoped3A_208, %dma_wait3A_223, %dma_wait3A_224] : memref<2x40x128xf32, #tpu.memory_space<vmem>> -> memref<1x40x128xf32, #tpu.memory_space<vmem>>
          %dma_wait3A_226 = tpu.memref_squeeze %dma_wait3A_225 : memref<1x40x128xf32, #tpu.memory_space<vmem>> -> memref<40x128xf32, #tpu.memory_space<vmem>>
          %dma_wait3A_227 = arith.constant 0 : i32
          %dma_wait3A_228 = tpu.memref_slice %arg19[%multiple_of3A_207, %dma_wait3A_227] : memref<10000x128xf32, #tpu.memory_space<vmem_shared>> -> memref<40x128xf32, #tpu.memory_space<vmem_shared>>
          %dma_wait3A_229 = arith.constant 0 : i32
          %dma_wait3A_230 = arith.constant 0 : i32
          %dma_wait3A_231 = tpu.memref_slice %arg16[%run_scoped3A_208, %dma_wait3A_229, %dma_wait3A_230] : memref<2x40x128xf32, #tpu.memory_space<vmem>> -> memref<1x40x128xf32, #tpu.memory_space<vmem>>
          %dma_wait3A_232 = tpu.memref_squeeze %dma_wait3A_231 : memref<1x40x128xf32, #tpu.memory_space<vmem>> -> memref<40x128xf32, #tpu.memory_space<vmem>>
          %dma_wait3A_233 = arith.constant 0 : i32
          %dma_wait3A_234 = tpu.memref_slice %arg19[%multiple_of3A_207, %dma_wait3A_233] : memref<10000x128xf32, #tpu.memory_space<vmem_shared>> -> memref<40x128xf32, #tpu.memory_space<vmem_shared>>
          tpu.wait_dma2 semaphore(%run_scoped3A_210 : memref<!tpu.dma_semaphore, #tpu.memory_space<semaphore_mem>>) src(%dma_wait3A_234 : memref<40x128xf32, #tpu.memory_space<vmem_shared>>) dst(%dma_wait3A_232 : memref<40x128xf32, #tpu.memory_space<vmem>>)
          tpu.yield
        }) : () -> ()
        %run_scoped3A_209 = arith.constant 0 : i32
        "tpu.region"() ({
          %run_scoped3A_210 = tpu.sem_alloc : memref<!tpu.dma_semaphore, #tpu.memory_space<semaphore_mem>>
          %dma_start3A_211 = arith.constant 0 : i32
          %dma_start3A_212 = arith.constant 0 : i32
          %dma_start3A_213 = tpu.memref_slice %arg16[%run_scoped3A_209, %dma_start3A_211, %dma_start3A_212] : memref<2x40x128xf32, #tpu.memory_space<vmem>> -> memref<1x40x128xf32, #tpu.memory_space<vmem>>
          %dma_start3A_214 = tpu.memref_squeeze %dma_start3A_213 : memref<1x40x128xf32, #tpu.memory_space<vmem>> -> memref<40x128xf32, #tpu.memory_space<vmem>>
          %dma_start3A_215 = arith.constant 0 : i32
          %dma_start3A_216 = tpu.memref_slice %arg8[%arg0, %multiple_of3A_207, %dma_start3A_215] : memref<2x10000x128xf32, #tpu.memory_space<hbm>> -> memref<1x40x128xf32, #tpu.memory_space<hbm>>
          %dma_start3A_217 = tpu.memref_squeeze %dma_start3A_216 : memref<1x40x128xf32, #tpu.memory_space<hbm>> -> memref<40x128xf32, #tpu.memory_space<hbm>>
          %dma_start3A_218 = arith.constant 0 : i32
          %dma_start3A_219 = tpu.memref_slice %arg8[%arg0, %multiple_of3A_207, %dma_start3A_218] : memref<2x10000x128xf32, #tpu.memory_space<hbm>> -> memref<1x40x128xf32, #tpu.memory_space<hbm>>
          %dma_start3A_220 = tpu.memref_squeeze %dma_start3A_219 : memref<1x40x128xf32, #tpu.memory_space<hbm>> -> memref<40x128xf32, #tpu.memory_space<hbm>>
          %dma_start3A_221 = arith.constant 0 : i32
          %dma_start3A_222 = arith.constant 0 : i32
          %dma_start3A_223 = tpu.memref_slice %arg16[%run_scoped3A_209, %dma_start3A_221, %dma_start3A_222] : memref<2x40x128xf32, #tpu.memory_space<vmem>> -> memref<1x40x128xf32, #tpu.memory_space<vmem>>
          %dma_start3A_224 = tpu.memref_squeeze %dma_start3A_223 : memref<1x40x128xf32, #tpu.memory_space<vmem>> -> memref<40x128xf32, #tpu.memory_space<vmem>>
          tpu.enqueue_dma source(%dma_start3A_224 : memref<40x128xf32, #tpu.memory_space<vmem>>) target(%dma_start3A_220 : memref<40x128xf32, #tpu.memory_space<hbm>>) target_semaphore(%run_scoped3A_210 : memref<!tpu.dma_semaphore, #tpu.memory_space<semaphore_mem>>)
          %dma_wait3A_225 = arith.constant 0 : i32
          %dma_wait3A_226 = arith.constant 0 : i32
          %dma_wait3A_227 = tpu.memref_slice %arg16[%run_scoped3A_209, %dma_wait3A_225, %dma_wait3A_226] : memref<2x40x128xf32, #tpu.memory_space<vmem>> -> memref<1x40x128xf32, #tpu.memory_space<vmem>>
          %dma_wait3A_228 = tpu.memref_squeeze %dma_wait3A_227 : memref<1x40x128xf32, #tpu.memory_space<vmem>> -> memref<40x128xf32, #tpu.memory_space<vmem>>
          %dma_wait3A_229 = arith.constant 0 : i32
          %dma_wait3A_230 = tpu.memref_slice %arg8[%arg0, %multiple_of3A_207, %dma_wait3A_229] : memref<2x10000x128xf32, #tpu.memory_space<hbm>> -> memref<1x40x128xf32, #tpu.memory_space<hbm>>
          %dma_wait3A_231 = tpu.memref_squeeze %dma_wait3A_230 : memref<1x40x128xf32, #tpu.memory_space<hbm>> -> memref<40x128xf32, #tpu.memory_space<hbm>>
          %dma_wait3A_232 = arith.constant 0 : i32
          %dma_wait3A_233 = tpu.memref_slice %arg8[%arg0, %multiple_of3A_207, %dma_wait3A_232] : memref<2x10000x128xf32, #tpu.memory_space<hbm>> -> memref<1x40x128xf32, #tpu.memory_space<hbm>>
          %dma_wait3A_234 = tpu.memref_squeeze %dma_wait3A_233 : memref<1x40x128xf32, #tpu.memory_space<hbm>> -> memref<40x128xf32, #tpu.memory_space<hbm>>
          %dma_wait3A_235 = arith.constant 0 : i32
          %dma_wait3A_236 = arith.constant 0 : i32
          %dma_wait3A_237 = tpu.memref_slice %arg16[%run_scoped3A_209, %dma_wait3A_235, %dma_wait3A_236] : memref<2x40x128xf32, #tpu.memory_space<vmem>> -> memref<1x40x128xf32, #tpu.memory_space<vmem>>
          %dma_wait3A_238 = tpu.memref_squeeze %dma_wait3A_237 : memref<1x40x128xf32, #tpu.memory_space<vmem>> -> memref<40x128xf32, #tpu.memory_space<vmem>>
          tpu.wait_dma2 semaphore(%run_scoped3A_210 : memref<!tpu.dma_semaphore, #tpu.memory_space<semaphore_mem>>) src(%dma_wait3A_238 : memref<40x128xf32, #tpu.memory_space<vmem>>) dst(%dma_wait3A_234 : memref<40x128xf32, #tpu.memory_space<hbm>>)
          tpu.yield
        }) : () -> ()
      } else {
      }
    }
    %scan3A_198 = arith.constant 16 : i32
    return
  }
}

module attributes {stable_mosaic.version = 14 : i64} {
  func.func @_prep_body(%arg0: memref<10000x128xf32, #tpu.memory_space<vmem>>, %arg1: memref<256x128xf32, #tpu.memory_space<vmem>>, %arg2: memref<1x128xf32, #tpu.memory_space<vmem>>, %arg3: memref<2500x128xf32, #tpu.memory_space<vmem>>, %arg4: memref<2500x128xf32, #tpu.memory_space<vmem>>, %arg5: memref<10000x128xf32, #tpu.memory_space<vmem>>, %arg6: memref<10000x128xf32, #tpu.memory_space<vmem>>, %arg7: memref<8x128xf32, #tpu.memory_space<vmem>>, %arg8: memref<2500x128xf32, #tpu.memory_space<vmem>>) attributes {dimension_semantics = [], scalar_prefetch = 0 : i64, scratch_operands = 0 : i64, tpu.core_type = #tpu.core_type<tc>} {
    %get3A = arith.constant 0 : index
    %get3A_0 = arith.constant 0 : index
    %get3A_1 = vector.load %arg0[%get3A, %get3A_0] : memref<10000x128xf32, #tpu.memory_space<vmem>>, vector<10000x128xf32>
    %get3A_2 = arith.constant 0 : index
    %get3A_3 = arith.constant 0 : index
    %get3A_4 = vector.load %arg1[%get3A_2, %get3A_3] : memref<256x128xf32, #tpu.memory_space<vmem>>, vector<256x128xf32>
    %slice3A = vector.extract_strided_slice %get3A_4 {offsets = [0, 0], sizes = [128, 128], strides = [1, 1]} : vector<256x128xf32> to vector<128x128xf32>
    %dot_general3A = arith.constant dense<0.000000e+00> : vector<10000x128xf32>
    %dot_general3A_5 = tpu.matmul %get3A_1, %slice3A, %dot_general3A {dimension_numbers = #tpu.dot_dimension_numbers<[1], [0], [0], [1], [0, 0, 1, 1], [], []>, precision = #tpu.contract_precision<fp32>, transpose_lhs_hint = false} : vector<10000x128xf32>, vector<128x128xf32>, vector<10000x128xf32> -> vector<10000x128xf32>
    %get3A_6 = arith.constant 0 : index
    %get3A_7 = arith.constant 0 : index
    %get3A_8 = vector.load %arg2[%get3A_6, %get3A_7] : memref<1x128xf32, #tpu.memory_space<vmem>>, vector<1x128xf32>
    %add3A = vector.broadcast %get3A_8 : vector<1x128xf32> to vector<10000x128xf32>
    %add3A_9 = arith.addf %dot_general3A_5, %add3A : vector<10000x128xf32>
    %slice3A_10 = vector.extract_strided_slice %get3A_4 {offsets = [128, 0], sizes = [128, 128], strides = [1, 1]} : vector<256x128xf32> to vector<128x128xf32>
    %dot_general3A_11 = arith.constant dense<0.000000e+00> : vector<10000x128xf32>
    %dot_general3A_12 = tpu.matmul %get3A_1, %slice3A_10, %dot_general3A_11 {dimension_numbers = #tpu.dot_dimension_numbers<[1], [0], [0], [1], [0, 0, 1, 1], [], []>, precision = #tpu.contract_precision<fp32>, transpose_lhs_hint = false} : vector<10000x128xf32>, vector<128x128xf32>, vector<10000x128xf32> -> vector<10000x128xf32>
    %swap3A = arith.constant 0 : index
    %swap3A_13 = arith.constant 0 : index
    %swap3A_14 = vector.load %arg5[%swap3A, %swap3A_13] : memref<10000x128xf32, #tpu.memory_space<vmem>>, vector<10000x128xf32>
    tpu.vector_store %arg5[%swap3A, %swap3A_13], %add3A_9 {strides = array<i32>} : memref<10000x128xf32, #tpu.memory_space<vmem>>, vector<10000x128xf32>,
    %swap3A_15 = arith.constant 0 : index
    %swap3A_16 = arith.constant 0 : index
    %swap3A_17 = vector.load %arg6[%swap3A_15, %swap3A_16] : memref<10000x128xf32, #tpu.memory_space<vmem>>, vector<10000x128xf32>
    tpu.vector_store %arg6[%swap3A_15, %swap3A_16], %dot_general3A_12 {strides = array<i32>} : memref<10000x128xf32, #tpu.memory_space<vmem>>, vector<10000x128xf32>,
    %reduce_max3A = arith.constant dense<0xFF800000> : vector<128xf32>
    %reduce_max3A_18 = vector.multi_reduction <maximumf>, %add3A_9, %reduce_max3A [0] : vector<10000x128xf32> to vector<128xf32>
    %broadcast_in_dim3A = vector.shape_cast %reduce_max3A_18 : vector<128xf32> to vector<1x128xf32>
    %reduce_max3A_19 = arith.constant dense<0xFF800000> : vector<128xf32>
    %reduce_max3A_20 = vector.multi_reduction <maximumf>, %dot_general3A_12, %reduce_max3A_19 [0] : vector<10000x128xf32> to vector<128xf32>
    %broadcast_in_dim3A_21 = vector.shape_cast %reduce_max3A_20 : vector<128xf32> to vector<1x128xf32>
    %add3A_22 = arith.addf %broadcast_in_dim3A, %broadcast_in_dim3A_21 : vector<1x128xf32>
    %max3A = arith.constant 0.000000e+00 : f32
    %max3A_23 = vector.broadcast %max3A : f32 to vector<1x128xf32>
    %max3A_24 = arith.maximumf %add3A_22, %max3A_23 : vector<1x128xf32>
    %broadcast_in_dim3A_25 = vector.shape_cast %max3A_24 : vector<1x128xf32> to vector<1x128xf32>
    %broadcast_in_dim3A_26 = vector.broadcast %broadcast_in_dim3A_25 : vector<1x128xf32> to vector<8x128xf32>
    %swap3A_27 = arith.constant 0 : index
    %swap3A_28 = arith.constant 0 : index
    %swap3A_29 = vector.load %arg7[%swap3A_27, %swap3A_28] : memref<8x128xf32, #tpu.memory_space<vmem>>, vector<8x128xf32>
    tpu.vector_store %arg7[%swap3A_27, %swap3A_28], %broadcast_in_dim3A_26 {strides = array<i32>} : memref<8x128xf32, #tpu.memory_space<vmem>>, vector<8x128xf32>,
    %get3A_30 = arith.constant 0 : index
    %get3A_31 = arith.constant 0 : index
    %get3A_32 = vector.load %arg3[%get3A_30, %get3A_31] : memref<2500x128xf32, #tpu.memory_space<vmem>>, vector<2500x128xf32>
    %get3A_33 = arith.constant 0 : index
    %get3A_34 = arith.constant 0 : index
    %get3A_35 = vector.load %arg4[%get3A_33, %get3A_34] : memref<2500x128xf32, #tpu.memory_space<vmem>>, vector<2500x128xf32>
    %reduce_min3A = vector.shape_cast %get3A_32 : vector<2500x128xf32> to vector<1x2500x128xf32>
    %reduce_min3A_36 = arith.constant dense<0x7F800000> : vector<1xf32>
    %reduce_min3A_37 = vector.multi_reduction <minimumf>, %reduce_min3A, %reduce_min3A_36 [1, 2] : vector<1x2500x128xf32> to vector<1xf32>
    %reduce_min3A_38 = vector.shape_cast %reduce_min3A_37 : vector<1xf32> to vector<1x1x1xf32>
    %reduce_min3A_39 = vector.extract %reduce_min3A_38[0, 0, 0] : f32 from vector<1x1x1xf32>
    %sub3A = vector.broadcast %reduce_min3A_39 : f32 to vector<2500x128xf32>
    %sub3A_40 = arith.subf %get3A_32, %sub3A : vector<2500x128xf32>
    %reduce_max3A_41 = vector.shape_cast %get3A_32 : vector<2500x128xf32> to vector<1x2500x128xf32>
    %reduce_max3A_42 = arith.constant dense<0xFF800000> : vector<1xf32>
    %reduce_max3A_43 = vector.multi_reduction <maximumf>, %reduce_max3A_41, %reduce_max3A_42 [1, 2] : vector<1x2500x128xf32> to vector<1xf32>
    %reduce_max3A_44 = vector.shape_cast %reduce_max3A_43 : vector<1xf32> to vector<1x1x1xf32>
    %reduce_max3A_45 = vector.extract %reduce_max3A_44[0, 0, 0] : f32 from vector<1x1x1xf32>
    %reduce_min3A_46 = vector.shape_cast %get3A_32 : vector<2500x128xf32> to vector<1x2500x128xf32>
    %reduce_min3A_47 = arith.constant dense<0x7F800000> : vector<1xf32>
    %reduce_min3A_48 = vector.multi_reduction <minimumf>, %reduce_min3A_46, %reduce_min3A_47 [1, 2] : vector<1x2500x128xf32> to vector<1xf32>
    %reduce_min3A_49 = vector.shape_cast %reduce_min3A_48 : vector<1xf32> to vector<1x1x1xf32>
    %reduce_min3A_50 = vector.extract %reduce_min3A_49[0, 0, 0] : f32 from vector<1x1x1xf32>
    %sub3A_51 = arith.subf %reduce_max3A_45, %reduce_min3A_50 : f32
    %add3A_52 = arith.constant 9.99999993E-9 : f32
    %add3A_53 = arith.addf %sub3A_51, %add3A_52 : f32
    %div3A = vector.broadcast %add3A_53 : f32 to vector<2500x128xf32>
    %div3A_54 = arith.divf %sub3A_40, %div3A : vector<2500x128xf32>
    %reduce_min3A_55 = vector.shape_cast %get3A_35 : vector<2500x128xf32> to vector<1x2500x128xf32>
    %reduce_min3A_56 = arith.constant dense<0x7F800000> : vector<1xf32>
    %reduce_min3A_57 = vector.multi_reduction <minimumf>, %reduce_min3A_55, %reduce_min3A_56 [1, 2] : vector<1x2500x128xf32> to vector<1xf32>
    %reduce_min3A_58 = vector.shape_cast %reduce_min3A_57 : vector<1xf32> to vector<1x1x1xf32>
    %reduce_min3A_59 = vector.extract %reduce_min3A_58[0, 0, 0] : f32 from vector<1x1x1xf32>
    %sub3A_60 = vector.broadcast %reduce_min3A_59 : f32 to vector<2500x128xf32>
    %sub3A_61 = arith.subf %get3A_35, %sub3A_60 : vector<2500x128xf32>
    %reduce_max3A_62 = vector.shape_cast %get3A_35 : vector<2500x128xf32> to vector<1x2500x128xf32>
    %reduce_max3A_63 = arith.constant dense<0xFF800000> : vector<1xf32>
    %reduce_max3A_64 = vector.multi_reduction <maximumf>, %reduce_max3A_62, %reduce_max3A_63 [1, 2] : vector<1x2500x128xf32> to vector<1xf32>
    %reduce_max3A_65 = vector.shape_cast %reduce_max3A_64 : vector<1xf32> to vector<1x1x1xf32>
    %reduce_max3A_66 = vector.extract %reduce_max3A_65[0, 0, 0] : f32 from vector<1x1x1xf32>
    %reduce_min3A_67 = vector.shape_cast %get3A_35 : vector<2500x128xf32> to vector<1x2500x128xf32>
    %reduce_min3A_68 = arith.constant dense<0x7F800000> : vector<1xf32>
    %reduce_min3A_69 = vector.multi_reduction <minimumf>, %reduce_min3A_67, %reduce_min3A_68 [1, 2] : vector<1x2500x128xf32> to vector<1xf32>
    %reduce_min3A_70 = vector.shape_cast %reduce_min3A_69 : vector<1xf32> to vector<1x1x1xf32>
    %reduce_min3A_71 = vector.extract %reduce_min3A_70[0, 0, 0] : f32 from vector<1x1x1xf32>
    %sub3A_72 = arith.subf %reduce_max3A_66, %reduce_min3A_71 : f32
    %add3A_73 = arith.constant 9.99999993E-9 : f32
    %add3A_74 = arith.addf %sub3A_72, %add3A_73 : f32
    %div3A_75 = vector.broadcast %add3A_74 : f32 to vector<2500x128xf32>
    %div3A_76 = arith.divf %sub3A_61, %div3A_75 : vector<2500x128xf32>
    %mul3A = arith.constant 5.000000e-01 : f32
    %mul3A_77 = vector.broadcast %mul3A : f32 to vector<2500x128xf32>
    %mul3A_78 = arith.mulf %mul3A_77, %div3A_54 : vector<2500x128xf32>
    %mul3A_79 = arith.constant 5.000000e-01 : f32
    %mul3A_80 = vector.broadcast %mul3A_79 : f32 to vector<2500x128xf32>
    %mul3A_81 = arith.mulf %mul3A_80, %div3A_76 : vector<2500x128xf32>
    %add3A_82 = arith.addf %mul3A_78, %mul3A_81 : vector<2500x128xf32>
    %swap3A_83 = arith.constant 0 : index
    %swap3A_84 = arith.constant 0 : index
    %swap3A_85 = vector.load %arg8[%swap3A_83, %swap3A_84] : memref<2500x128xf32, #tpu.memory_space<vmem>>, vector<2500x128xf32>
    tpu.vector_store %arg8[%swap3A_83, %swap3A_84], %add3A_82 {strides = array<i32>} : memref<2500x128xf32, #tpu.memory_space<vmem>>, vector<2500x128xf32>,
    return
  }
}

module attributes {stable_mosaic.version = 14 : i64} {
  func.func @_fin_body(%arg0: memref<2x10000x128xf32, #tpu.memory_space<vmem>>, %arg1: memref<32x8x128xf32, #tpu.memory_space<vmem>>, %arg2: memref<10000x128xf32, #tpu.memory_space<vmem>>) attributes {dimension_semantics = [], scalar_prefetch = 0 : i64, scratch_operands = 0 : i64, tpu.core_type = #tpu.core_type<tc>} {
    %get3A = arith.constant 0 : index
    %get3A_0 = arith.constant 0 : index
    %get3A_1 = arith.constant 0 : index
    %get3A_2 = vector.load %arg1[%get3A, %get3A_0, %get3A_1] : memref<32x8x128xf32, #tpu.memory_space<vmem>>, vector<32x1x128xf32>
    %get3A_3 = vector.shape_cast %get3A_2 : vector<32x1x128xf32> to vector<32x128xf32>
    %reduce_sum3A = arith.constant dense<0.000000e+00> : vector<128xf32>
    %reduce_sum3A_4 = vector.multi_reduction <add>, %get3A_3, %reduce_sum3A [0] : vector<32x128xf32> to vector<128xf32>
    %broadcast_in_dim3A = vector.shape_cast %reduce_sum3A_4 : vector<128xf32> to vector<1x128xf32>
    %get3A_5 = arith.constant 0 : index
    %get3A_6 = arith.constant 0 : index
    %get3A_7 = arith.constant 0 : index
    %get3A_8 = vector.load %arg0[%get3A_5, %get3A_6, %get3A_7] : memref<2x10000x128xf32, #tpu.memory_space<vmem>>, vector<1x10000x128xf32>
    %get3A_9 = vector.shape_cast %get3A_8 : vector<1x10000x128xf32> to vector<10000x128xf32>
    %get3A_10 = arith.constant 1 : index
    %get3A_11 = arith.constant 0 : index
    %get3A_12 = arith.constant 0 : index
    %get3A_13 = vector.load %arg0[%get3A_10, %get3A_11, %get3A_12] : memref<2x10000x128xf32, #tpu.memory_space<vmem>>, vector<1x10000x128xf32>
    %get3A_14 = vector.shape_cast %get3A_13 : vector<1x10000x128xf32> to vector<10000x128xf32>
    %add3A = arith.addf %get3A_9, %get3A_14 : vector<10000x128xf32>
    %div3A = vector.broadcast %broadcast_in_dim3A : vector<1x128xf32> to vector<10000x128xf32>
    %div3A_15 = arith.divf %add3A, %div3A : vector<10000x128xf32>
    %swap3A = arith.constant 0 : index
    %swap3A_16 = arith.constant 0 : index
    %swap3A_17 = vector.load %arg2[%swap3A, %swap3A_16] : memref<10000x128xf32, #tpu.memory_space<vmem>>, vector<10000x128xf32>
    tpu.vector_store %arg2[%swap3A, %swap3A_16], %div3A_15 {strides = array<i32>} : memref<10000x128xf32, #tpu.memory_space<vmem>>, vector<10000x128xf32>,
    return
  }
}

</mosaic_0001>

<sc_bundles>
// kernel: kernel.5.cloned.1.call-start
scs
__scs_entry_jumppad:
0x0: {  	(pc) =	sbr.rel $0x88, $3  }
0x1: {  	(tag) =	ssettag $0x0;
	lr =	simm.s32 $0x1  }
0x2: {  	[smem:$0x3F9B] =	sst lr;
	_ =	strace $0xD0000000  }
0x3: {  	_ = 	snop  }
0x4: {  	_ = 	snop  }
0x5: {  	_ = 	snop  }
0x6: {  	_ = 	snop  }
0x7: {  	_ = 	snop  }
__scs_overlays_trampoline_lowered:
0x8: {  	[smem:$0x3FAA] =	sst s0  }
0x9: {  	[smem:$0x3FAB] =	sst s1  }
0xa: {  	[smem:$0x3FAC] =	sst s2  }
0xb: {  	[smem:$0x3FAD] =	sst s3  }
0xc: {  	[smem:$0x3FAE] =	sst s4  }
0xd: {  	[smem:$0x3FAF] =	sst s5  }
0xe: {  	[smem:$0x3FB0] =	sst s6  }
0xf: {  	[smem:$0x3FB1] =	sst s7  }
0x10: {  	[smem:$0x3FB2] =	sst s8  }
0x11: {  	[smem:$0x3FB3] =	sst s9;
	s0 =	simm.s32 @!p0 $0x0  }
0x12: {  	s1 =	sld [smem:$0x3F99];
	s0 =	simm.s32 @p0 $0x1  }
0x13: {  	[smem:$0x3FB4] =	sst s0;
	s0 =	simm.s32 @!p1 $0x0  }
0x14: {  	s2 =	sld [smem:$0x3F98];
	s0 =	simm.s32 @p1 $0x1  }
0x15: {  	[smem:$0x3FB5] =	sst s0;
	s0 =	simm.s32 @!p2 $0x0  }
0x16: {  	s3 =	sld [smem:$0x3FDB];
	s0 =	simm.s32 @p2 $0x1  }
0x17: {  	s4 =	simm.s32 $0x1BF5;
	[smem:$0x3FB7] =	sst s0  }
0x18: {  	s0 =	sld [smem:$0x3F9A];
	_ =	swait.ge [sflag:s4], $0x0  }
0x19: {  	s7 =	sld [smem:$0x3F9B]  }
0x1a: {  	s8 =	sadd.s32 $0xFFFFE003, lr  }
0x1b: {  	s9 =	sadd.s32 $0xFFFFFEF7, lr;
	s5 =	simm.s32 $0xFFFFFFFF;
	p2 =	slt.u32 s8, $0xFFFFF086  }
0x1c: {  	p1 =	slt.u32 s9, $0xF7A;
	s5 =	simm.s32 @!p2 $0x0  }
0x1d: {  	s5 =	simm.s32 @p1 $0x1;
	p0 =	seq.s32 s7, s2  }
0x1e: {  	s7 =	smul.u32 @!p0 $0xF7A, s2;
	p2 =	seq.s32 @!p0 s5, $0x0  }
0x1f: {  	s9 =	smul.u32 $0xF7A, s1;
	s8 =	simm.s32 @!p0 $0x1BF5;
	p2 =	por !p2, p0  }
0x20: {  	[sflag:s8] =	ssyncset.s32 @!p0 $0xFFFFF086;
	s6 =	sadd.s32 @!p0 s3, s7;
	s7 =	simm.s32 @!p0 $0x108  }
0x21: {  	s3 =	sadd.s32 s3, s9;
	s6 =	sadd.s32 @!p0 $0x88, s6;
	s7 =	simm.s32 @p2 $0x1082  }
0x22: {  	[simem:s7], [sflag:s8] =	dma.local @!p0 [hbm:s6], $0xF7A  }
0x23: {  	s9 =	sor.u32 $0xD0000000, s2;
	s6 =	simm.s32 $0x108;
	_ =	swait.ge @!p0 [sflag:s8], $0x0  }
0x24: {  	s3 =	sadd.s32 $0x88, s3;
	s6 =	simm.s32 @!p1 $0x1082;
	[sflag:s4] =	ssyncset.s32 $0xFFFFF086  }
0x25: {  	[simem:s6], [sflag:s4] =	dma.local [hbm:s3], $0xF7A  }
0x26: {  	[smem:$0x3F9B] =	sst s1;
	(tag) =	ssettag s2;
	_ =	strace s9  }
0x27: {  	s1 =	sld [smem:$0x3FAB]  }
0x28: {  	s2 =	sld [smem:$0x3FAC]  }
0x29: {  	s4 =	sld [smem:$0x3FAE]  }
0x2a: {  	p0 =	seq.s32 s5, $0x0;
	s5 =	sld [smem:$0x3FAF]  }
0x2b: {  	s6 =	sld [smem:$0x3FB0]  }
0x2c: {  	s7 =	sld [smem:$0x3FB1]  }
0x2d: {  	s3 =	simm.s32 $0x108;
	s8 =	sld [smem:$0x3FB2]  }
0x2e: {  	s3 =	simm.s32 @!p0 $0x1082;
	s9 =	sld [smem:$0x3FB3]  }
0x2f: {  	lr =	sadd.s32 s0, s3;
	s0 =	sld [smem:$0x3FAA]  }
0x30: {  	s3 =	sld [smem:$0x3FAD]  }
0x31: {  	[smem:$0x3FB6] =	sst s10  }
0x32: {  	s10 =	sld [smem:$0x3FB4];
	_ =	sdelay $0x3  }
0x33: {  	p0 =	seq.s32 s10, $0x1;
	s10 =	sld [smem:$0x3FB6];
	_ =	sdelay $0x3  }
0x34: {  	[smem:$0x3FB6] =	sst s10  }
0x35: {  	s10 =	sld [smem:$0x3FB5];
	_ =	sdelay $0x3  }
0x36: {  	p1 =	seq.s32 s10, $0x1;
	s10 =	sld [smem:$0x3FB6];
	_ =	sdelay $0x3  }
0x37: {  	[smem:$0x3FB6] =	sst s10  }
0x38: {  	s10 =	sld [smem:$0x3FB7]  }
0x39: {  	_ = 	snop;
	(pc) =	sbr.ind lr, $3  }
0x3a: {  	_ = 	snop  }
0x3b: {  	_ = 	snop  }
0x3c: {  	p2 =	seq.s32 s10, $0x1;
	s10 =	sld [smem:$0x3FB6]  }
0x3d: {  	_ =	shalt  }
0x3e: {  	_ =	shalt  }
0x3f: {  	_ =	shalt  }
0x40: {  	_ =	shalt  }
0x41: {  	_ =	shalt  }
0x42: {  	_ =	shalt  }
0x43: {  	_ =	shalt  }
0x44: {  	_ =	shalt  }
0x45: {  	_ =	shalt  }
0x46: {  	_ =	shalt  }
0x47: {  	_ =	shalt  }
0x48: {  	_ =	shalt  }
0x49: {  	_ =	shalt  }
0x4a: {  	_ =	shalt  }
0x4b: {  	_ =	shalt  }
0x4c: {  	_ =	shalt  }
0x4d: {  	_ =	shalt  }
0x4e: {  	_ =	shalt  }
0x4f: {  	_ =	shalt  }
0x50: {  	_ =	shalt  }
0x51: {  	_ =	shalt  }
0x52: {  	_ =	shalt  }
0x53: {  	_ =	shalt  }
0x54: {  	_ =	shalt  }
0x55: {  	_ =	shalt  }
0x56: {  	_ =	shalt  }
0x57: {  	_ =	shalt  }
0x58: {  	_ =	shalt  }
0x59: {  	_ =	shalt  }
0x5a: {  	_ =	shalt  }
0x5b: {  	_ =	shalt  }
0x5c: {  	_ =	shalt  }
0x5d: {  	_ =	shalt  }
0x5e: {  	_ =	shalt  }
0x5f: {  	_ =	shalt  }
0x60: {  	_ =	shalt  }
0x61: {  	_ =	shalt  }
0x62: {  	_ =	shalt  }
0x63: {  	_ =	shalt  }
0x64: {  	_ =	shalt  }
0x65: {  	_ =	shalt  }
0x66: {  	_ =	shalt  }
0x67: {  	_ =	shalt  }
0x68: {  	_ =	shalt  }
0x69: {  	_ =	shalt  }
0x6a: {  	_ =	shalt  }
0x6b: {  	_ =	shalt  }
0x6c: {  	_ =	shalt  }
0x6d: {  	_ =	shalt  }
0x6e: {  	_ =	shalt  }
0x6f: {  	_ =	shalt  }
0x70: {  	_ =	shalt  }
0x71: {  	_ =	shalt  }
0x72: {  	_ =	shalt  }
0x73: {  	_ =	shalt  }
0x74: {  	_ =	shalt  }
0x75: {  	_ =	shalt  }
0x76: {  	_ =	shalt  }
0x77: {  	_ =	shalt  }
0x78: {  	_ =	shalt  }
0x79: {  	_ =	shalt  }
0x7a: {  	_ =	shalt  }
0x7b: {  	_ =	shalt  }
0x7c: {  	_ =	shalt  }
0x7d: {  	_ =	shalt  }
0x7e: {  	_ =	shalt  }
0x7f: {  	_ =	shalt  }
0x80: {  	_ =	shalt  }
0x81: {  	_ =	shalt  }
0x82: {  	_ =	shalt  }
0x83: {  	_ =	shalt  }
0x84: {  	_ =	shalt  }
0x85: {  	_ =	shalt  }
0x86: {  	_ =	shalt  }
0x87: {  	_ =	shalt  }
.Lfunc_end0:
.L_simem_size_0:
called_computation_lowered:
.L_overlay_start_0:
0x88: {  	s2 =	sld [smem:$0x3FD9]  }
0x89: {  	s3 =	sld [smem:$0x3FFE];
	_ =	sdelay $0x1  }
0x8a: {  	s1 =	srdreg.scid  }
0x8b: {  	s0 =	sand.u32 $0x1, s1  }
0x8c: {  	s17 =	sshll.u32 s0, $0xA;
	s2 =	sadd.s32 s3, s2  }
0x8d: {  	s2 =	sadd.s32 s2, s17  }
0x8e: {  	[smem:$0x3FC2] =	sst s2  }
0x8f: {  	_ = 	snop  }
0x90: {  	s2 =	sld [smem:$0x3FD0];
	(tm) =	ssettm $0x1  }
0x91: {  	s18 =	sld [smem:$0x3FFB];
	_ =	sdelay $0x3  }
0x92: {  	_ =	strace s18  }
0x93: {  	s3 =	sld [smem:$0x3FFC];
	_ =	sdelay $0x3  }
0x94: {  	_ =	strace s3  }
0x95: {  	s3 =	sld [smem:$0x3FFD];
	_ =	sdelay $0x3  }
0x96: {  	_ =	strace s3  }
0x97: {  	_ =	strace $0x8FFFFFFF  }
0x98: {  	s19 =	sld [smem:$0x3FDB];
	_ =	sdelay $0x1  }
0x99: {  	s4 =	simm.s32 $_scs_section_size  }
0x9a: {  	s5 =	simm.s32 $_size__tile_overlayer_lowered;
	s6 =	simm.s32 $_tile_overlayer_lowered  }
0x9b: {  	s22 =	simm.s32 $0x1BFF;
	s21 =	sshll.u32 s6, $0x1;
	s3 =	sadd.s32 s4, s19  }
0x9c: {  	s7 =	simm.s32 $0x0;
	s20 =	sshll.u32 s5, $0x1;
	s5 =	sadd.s32 s21, s3  }
0x9d: {  	[timem:s7], [sflag:s22] =	dma.local [hbm:s5], s20  }
0x9e: {  	_ =	swait.ge [sflag:s22], s20  }
0x9f: {  	s4 =	ssub.s32 $0x0, s20;
	[sflag:s22] =	ssyncset.done $0x0  }
0xa0: {  	[sflag:s22] =	ssyncadd.s32 s4;
	_ =	sdelay $0x1  }
0xa1: {  	s23 =	simm.s32 $0x1B8B  }
0xa2: {  	_ =	swait.ge [sflag:s23], $0x1  }
0xa3: {  	[sflag:s23] =	ssyncset.done $0x0  }
0xa4: {  	s25 =	simm.s32 $0x1B8E;
	s24 =	sld [smem:$0x3FFE];
	[sflag:s23] =	ssyncadd.s32 $0xFFFFFFFF  }
0xa5: {  	s26 =	simm.s32 $execute0_lowered;
	[smem:$0x3FD2] =	sst s25  }
0xa6: {  	s5 =	sshll.u32 s26, $0x1;
	_ =	strace $0x80000046;
	[dreg:$0x1] =	wrdreg $0xFFFFFFFF  }
0xa7: {  	s28 =	simm.s32 $_size_execute0_lowered;
	s3 =	sadd.s32 s3, s5;
	[dreg:$0x0] =	wrdreg $0x0  }
0xa8: {  	s5 =	sshll.u32 s28, $0x1;
	[dreg:$0x2] =	wrdreg s3  }
0xa9: {  	[dreg:$0x3] =	wrdreg s5  }
0xaa: {  	[dreg:$0x4] =	wrdreg $0xC0  }
0xab: {  	_ =	task [dreg:s7], $0x5FFFF  }
0xac: {  	[dreg:$0x1] =	wrdreg $0xFFFFFFFF  }
0xad: {  	[dreg:$0x0] =	wrdreg $0x60  }
0xae: {  	[dreg:$0x2] =	wrdreg s2  }
0xaf: {  	[dreg:$0x3] =	wrdreg s24  }
0xb0: {  	[dreg:$0x4] =	wrdreg $0x7C000  }
0xb1: {  	[dreg:$0x5] =	wrdreg $0x9  }
0xb2: {  	_ =	task.clear_ibuf [dreg:s7], $0x6FFFF;
	_ =	strace $0x90000046  }
0xb3: {  	s29 =	simm.s32 $0x9;
	_ =	strace $0x80000048  }
0xb4: {  	_ =	swait.ge [sflag:s29], $0x1  }
0xb5: {  	[sflag:s29] =	ssyncadd.s32 $0xFFFFFFFF  }
0xb6: {  	_ =	strace $0x90000048  }
0xb7: {  	_ =	sfence  }
0xb8: {  	s30 =	sld [smem:$0x0];
	_ =	sdelay $0x2  }
0xb9: {  	s31 =	sshll.u32 s1, $0xD;
	s1 =	sshrl.u32 s1, $0x2  }
0xba: {  	s3 =	sand.u32 $0x4000, s31;
	s1 =	sadd.s32 s1, s30  }
0xbb: {  	s0 =	sor.u32 s3, s0;
	s1 =	sshll.u32 s1, $0x11  }
0xbc: {  	s0 =	sor.u32 s1, s0  }
0xbd: {  	s0 =	sadd.s32 $0x8F2B, s0  }
0xbe: {  	[sflag:s0] =	ssyncadd.remote.s32 $0x1  }
0xbf: {  	_ =	sfence.sel $0xFFFF  }
0xc0: {  	[dreg:$0x0] =	wrdreg $0xFFFFFFFF;
	(pc) =	sbr.abs _section_cstart, $3  }
0xc1: {  	[dreg:$0x1] =	wrdreg $0xFFFFFFFF  }
0xc2: {  	_ =	task.clear_ibuf [dreg:s7], $0x2FFFF;
	_ =	strace $0x9FFFFFFF  }
0xc3: {  	(tm) =	ssettm $0x7FFFFFFF  }
tec
execute0_lowered:
.L_overlay_start_1:
0x0: {  	(tag) =	ssettag $0x1  }
0x1: {  	s1 =	rddreg [dreg:$0x0]  }
0x2: {  	s0 =	rddreg [dreg:$0x1]  }
0x3: {  	s6 =	rddreg [dreg:$0x2];
	s2 =	srdreg.scid;
	s3 =	simm.s32 $0x0  }
0x4: {  	s28 =	simm.s32 $0x1;
	s29 =	simm.s32 $0x3;
	s30 =	simm.s32 $0x1700  }
0x5: {  	s31 =	simm.s32 $0xA8;
	s7 =	sand.u32 $0x1, s2;
	s2 =	stileid.u32  }
0x6: {  	[smem:$0x7FF] =	sst s3;
	s4 =	sadd.s32 $0x15E00, s0;
	s5 =	smul.u32 $0x138800, s7  }
0x7: {  	s13 =	sadd.s32 $0x2400, s0;
	s10 =	sadd.s32 $0x46E00, s0;
	s8 =	smul.u32 $0x1400, s2  }
0x8: {  	_ =	strace $0x80000047;
	s9 =	sshll.u32 s7, $0x4;
	s19 =	smul.u32 $0x5000, s2  }
0x9: {  	s11 =	ssub.s32 $0x2, s7;
	s22 =	smul.u32 $0x9C4, s2;
	s9 =	sor.u32 s2, s9  }
0xa: {  	[dreg:$0x4] =	wrdreg s10;
	s16 =	sshrl.u32 s11, $0x1;
	s12 =	smul.u32 $0x2710, s9  }
0xb: {  	s8 =	sadd.s32 s8, s5;
	s5 =	sadd.s32 $0x3D000, s0;
	s14 =	smul.u32 $0x9C4, s9  }
0xc: {  	s15 =	sshll.u32 s9, $0x7;
	s9 =	smul.u32 $0x4E20, s9;
	s8 =	sshrl.u32 s8, $0x3  }
0xd: {  	s8 =	sadd.s32 s8, s0;
	s0 =	sadd.s32 s15, s0;
	s15 =	ssub.s32 s11, s16  }
0xe: {  	s17 =	sshrl.u32 s12, $0x3;
	s18 =	sadd.s32 s13, s14;
	s16 =	smul.u32 $0x9C40, s7  }
0xf: {  	s9 =	sshrl.u32 s9, $0x3;
	s20 =	sadd.s32 $0x28, s12;
	s7 =	smul.u32 $0x27100, s7  }
0x10: {  	s14 =	sshrl.u32 s19, $0x2;
	s19 =	simm.s32 $0x4;
	[dreg:$0x5] =	wrdreg s18  }
0x11: {  	s10 =	sadd.s32 s5, s17;
	s9 =	sadd.s32 s13, s9;
	s17 =	smul.u32 $0x2710, s2  }
0x12: {  	s0 =	sadd.s32 $0x95200, s0;
	s12 =	smax.u32 s15, $0x1;
	[dreg:$0x6] =	wrdreg s10  }
0x13: {  	s10 =	sshrl.u32 s20, $0x3;
	s9 =	sadd.s32 $0xA, s9;
	[dreg:$0x9] =	wrdreg s0  }
0x14: {  	s23 =	sadd.s32 s16, s13;
	s13 =	sadd.s32 s14, s6;
	s20 =	simm.s32 $0x0  }
0x15: {  	[dreg:$0x7] =	wrdreg s9;
	s21 =	sadd.s32 s5, s10;
	s24 =	sadd.s32 s17, s7  }
0x16: {  	s0 =	sadd.s32 s22, s23;
	s17 =	sadd.s32 $0x47000, s8;
	s22 =	simm.s32 $0x180  }
0x17: {  	s23 =	simm.s32 $0x2;
	[dreg:$0x8] =	wrdreg s21;
	s25 =	sadd.s32 $0x78, s24  }
0x18: {  	s7 =	sadd.s32 $0x14, s0;
	s6 =	sadd.s32 $0x50, s24;
	s21 =	simm.s32 $0x80  }
0x19: {  	s24 =	simm.s32 $0x28;
	s0 =	simm.s32 $0x3F00;
	s26 =	sshrl.u32 s25, $0x3  }
0x1a: {  	v0 =	vimm.f32 $0.0e+00;
	s25 =	simm.s32 $0x300;
	s16 =	sadd.s32 s26, s5;
	s26 =	simm.s32 $0x2B00  }
.LBB2_1:
0x1b: {  	s14 =	simm.s32 $0x0;
	s8 =	simm.s32 $0x200  }
.LBB2_2:
0x1c: {  	p0 =	sne.s32 s8, $0x4E00;
	[tilespmem:s14+$0x5370] =	vst v0  }
0x1d: {  	[tilespmem:s14+$0x5300] =	vst v0  }
0x1e: {  	[tilespmem:s14+$0x5310] =	vst v0  }
.Ltmp0:
0x1f: {  	[tilespmem:s14+$0x5320] =	vst v0;
	(pc) =	sbr.rel @p0 .LBB2_2-.Ltmp0, $4  }
0x20: {  	[tilespmem:s14+$0x5330] =	vst v0  }
0x21: {  	[tilespmem:s14+$0x5340] =	vst v0  }
0x22: {  	[tilespmem:s14+$0x5350] =	vst v0  }
0x23: {  	[tilespmem:s14+$0x5360] =	vst v0;
	s14 =	sshra.s32 s8, $0x2;
	s8 =	sadd.s32 $0x200, s8  }
0x24: {  	[tilespmem:s14+$0x5370] =	vst v0  }
0x25: {  	[tilespmem:s14+$0x5300] =	vst v0  }
0x26: {  	[tilespmem:s14+$0x5310] =	vst v0  }
0x27: {  	[tilespmem:s14+$0x5320] =	vst v0  }
0x28: {  	[tilespmem:s14+$0x5330] =	vst v0  }
0x29: {  	[tilespmem:s14+$0x5340] =	vst v0;
	s8 =	sadd.s32 $0x0, s2  }
0x2a: {  	[tilespmem:s14+$0x5350] =	vst v0;
	p0 =	sgt.u32 s8, $0xF9  }
0x2b: {  	[tilespmem:s14+$0x5360] =	vst v0;
	s8 =	simm.s32 @!p0 $0x5300;
	s18 =	simm.s32 @!p0 $0x4  }
0x2c: {  	[spmem:s13] =	stream.linear.scatter @!p0 [tilespmem:s8], [sflag:$0x4], $0x1400, $0x38;
	[tilespmem:$0x1B480] =	vst v63  }
0x2d: {  	s15 =	simm.s32 $0x20;
	_ =	swait.ge @!p0 [sflag:s18], $0x1400  }
0x2e: {  	s14 =	sadd.s32 $0x14000, s13;
	s8 =	simm.s32 $0x10;
	[sflag:s18] =	ssyncset.done @!p0 $0x0  }
.LBB2_4:
0x2f: {  	s9 =	sadd.s32 s8, s2;
	s8 =	smov.u32 s15;
	s15 =	sadd.s32 $0x10, s15  }
0x30: {  	[sflag:s18] =	ssyncadd.s32 @!p0 $0xFFFFEC00;
	p1 =	sne.s32 s15, $0x100  }
.Ltmp1:
0x31: {  	p0 =	sgt.u32 s9, $0xF9;
	(pc) =	sbr.rel @p1 .LBB2_4-.Ltmp1, $4  }
0x32: {  	s9 =	simm.s32 @!p0 $0x5300;
	s18 =	simm.s32 @!p0 $0x4  }
0x33: {  	[spmem:s14] =	stream.linear.scatter @!p0 [tilespmem:s9], [sflag:$0x4], $0x1400, $0x38;
	[tilespmem:$0x1B480] =	vst v63  }
0x34: {  	_ =	swait.ge @!p0 [sflag:s18], $0x1400  }
0x35: {  	s14 =	sadd.s32 $0x14000, s14;
	[sflag:s18] =	ssyncset.done @!p0 $0x0  }
0x36: {  	s8 =	sadd.s32 s8, s2  }
0x37: {  	p1 =	sgt.u32 s8, $0xF9  }
0x38: {  	[sflag:s18] =	ssyncadd.s32 @!p0 $0xFFFFEC00;
	s8 =	simm.s32 @!p1 $0x5300;
	s9 =	simm.s32 @!p1 $0x4  }
0x39: {  	[spmem:s14] =	stream.linear.scatter @!p1 [tilespmem:s8], [sflag:$0x4], $0x1400, $0x38;
	[tilespmem:$0x1B480] =	vst v63  }
0x3a: {  	_ =	swait.ge @!p1 [sflag:s9], $0x1400  }
0x3b: {  	[sflag:s9] =	ssyncset.done @!p1 $0x0  }
0x3c: {  	[sflag:s9] =	ssyncadd.s32 @!p1 $0xFFFFEC00  }
0x3d: {  	[bflag:$0x0] =	sbarrier.arrive $0xFFFF  }
0x3e: {  	s18 =	simm.s32 $0x0;
	s15 =	simm.s32 $0x7B00;
	s14 =	rddreg [dreg:$0x4]  }
0x3f: {  	[tilespmem:s15], [sflag:$0x4] =	stream.linear.gather [hbm4b:s14+s18], $0x80, $0x38;
	[tilespmem:$0x1B480] =	vst v63  }
0x40: {  	_ =	swait.ge [sflag:s19], $0x80  }
0x41: {  	[sflag:s19] =	ssyncset.done $0x0  }
0x42: {  	s9 =	rddreg [dreg:$0x5];
	[sflag:s19] =	ssyncadd.s32 $0xFFFFFF80  }
0x43: {  	[tilespmem:s18], [sflag:$0x2] =	stream.linear.gather [hbm4b:s9+s18], $0x50, $0x38;
	[tilespmem:$0x1B480] =	vst v63  }
0x44: {  	s11 =	simm.s32 $0x100;
	s10 =	rddreg [dreg:$0x6]  }
0x45: {  	[tilespmem:s11], [sflag:$0x2] =	stream.linear.gather [hbm4b:s10+s18], $0x28, $0x38;
	[tilespmem:$0x1B480] =	vst v63  }
0x46: {  	s14 =	rddreg [dreg:$0x7]  }
0x47: {  	[tilespmem:s21], [sflag:$0x3] =	stream.linear.gather [hbm4b:s14+s18], $0x50, $0x38;
	[tilespmem:$0x1B480] =	vst v63  }
0x48: {  	s15 =	rddreg [dreg:$0x8]  }
0x49: {  	[tilespmem:s22], [sflag:$0x3] =	stream.linear.gather [hbm4b:s15+s18], $0x28, $0x38;
	[tilespmem:$0x1B480] =	vst v63  }
0x4a: {  	_ =	swait.ge [sflag:s23], $0x50  }
0x4b: {  	[sflag:s23] =	ssyncset.done $0x0  }
0x4c: {  	[sflag:s23] =	ssyncadd.s32 $0xFFFFFFB0  }
0x4d: {  	_ =	swait.ge [sflag:s23], $0x28  }
0x4e: {  	[sflag:s23] =	ssyncset.done $0x0  }
0x4f: {  	[sflag:s23] =	ssyncadd.s32 $0xFFFFFFD8  }
0x50: {  	[tilespmem:s25], [sflag:$0x1] =	stream.indirect.gather [hbm4b:s1+s24], $0x80, s18, s24, $0xb8;
	[tilespmem:$0x1B480] =	vst v63  }
0x51: {  	s14 =	smov.u32 s7;
	s15 =	smov.u32 s6  }
0x52: {  	[tilespmem:s26], [sflag:$0x1] =	stream.indirect.gather [hbm4b:s4+s24], $0x80, s24, s24, $0xb8;
	[tilespmem:$0x1B480] =	vst v63  }
.LBB2_6:
0x53: {  	_ =	swait.ge [sflag:s28], $0x1400  }
0x54: {  	[sflag:s28] =	ssyncset.done $0x0  }
0x55: {  	[sflag:s28] =	ssyncadd.s32 $0xFFFFEC00  }
0x56: {  	_ =	swait.ge [sflag:s28], $0x1400  }
0x57: {  	[sflag:s28] =	ssyncset.done $0x0  }
0x58: {  	[sflag:s28] =	ssyncadd.s32 $0xFFFFEC00  }
0x59: {  	v1 =	vld [tilespmem:$0x0]  }
0x5a: {  	v2 =	vld [tilespmem:$0x10]  }
0x5b: {  	v3 =	vld [tilespmem:$0x18];
	_ =	sdelay $0x2  }
0x5c: {  	[tilespmem:$0x200] =	vst v1  }
0x5d: {  	[tilespmem:$0x210] =	vst v2  }
0x5e: {  	[tilespmem:$0x218] =	vst v3  }
0x5f: {  	_ =	swait.ge [sflag:s29], $0x50  }
0x60: {  	[sflag:s29] =	ssyncset.done $0x0  }
0x61: {  	[sflag:s29] =	ssyncadd.s32 $0xFFFFFFB0  }
0x62: {  	_ =	swait.ge [sflag:s29], $0x28  }
0x63: {  	[sflag:s29] =	ssyncset.done $0x0  }
0x64: {  	[sflag:s29] =	ssyncadd.s32 $0xFFFFFFD8  }
0x65: {  	[tilespmem:s30], [sflag:$0x1] =	stream.indirect.gather [hbm4b:s1+s24], $0x80, s21, s24, $0xb8;
	[tilespmem:$0x1B480] =	vst v63  }
0x66: {  	p0 =	seq.s32 s18, $0x4D8  }
0x67: {  	[tilespmem:s0], [sflag:$0x1] =	stream.indirect.gather [hbm4b:s4+s24], $0x80, s31, s24, $0xb8;
	[tilespmem:$0x1B480] =	vst v63  }
0x68: {  	s8 =	simm.s32 @!p0 $0x0;
	s9 =	sshrl.u32 @!p0 s15, $0x3  }
0x69: {  	[tilespmem:s8], [sflag:$0x2] =	stream.linear.gather @!p0 [hbm4b:s14+s8], $0x50, $0x38;
	[tilespmem:$0x1B480] =	vst v63  }
0x6a: {  	s10 =	simm.s32 @!p0 $0x100;
	s9 =	sadd.s32 @!p0 s5, s9  }
0x6b: {  	[tilespmem:s10], [sflag:$0x2] =	stream.linear.gather @!p0 [hbm4b:s9+s8], $0x28, $0x38;
	[tilespmem:$0x1B480] =	vst v63  }
0x6c: {  	_ =	swait.ge [sflag:s28], $0x1400  }
0x6d: {  	[sflag:s28] =	ssyncset.done $0x0  }
0x6e: {  	[sflag:s28] =	ssyncadd.s32 $0xFFFFEC00  }
0x6f: {  	_ =	swait.ge [sflag:s28], $0x1400  }
0x70: {  	[sflag:s28] =	ssyncset.done $0x0  }
0x71: {  	[sflag:s28] =	ssyncadd.s32 $0xFFFFEC00  }
0x72: {  	v1 =	vld [tilespmem:$0x80]  }
0x73: {  	v2 =	vld [tilespmem:$0x90]  }
0x74: {  	v3 =	vld [tilespmem:$0x98]  }
.Ltmp2:
0x75: {  	_ = 	snop;
	(pc) =	sbr.rel @p0 .LBB2_8-.Ltmp2, $4  }
0x76: {  	_ = 	snop  }
0x77: {  	[tilespmem:$0x280] =	vst v1  }
0x78: {  	[tilespmem:$0x290] =	vst v2  }
0x79: {  	[tilespmem:$0x298] =	vst v3  }
0x7a: {  	_ =	swait.ge [sflag:s23], $0x50  }
0x7b: {  	[sflag:s23] =	ssyncset.done $0x0  }
0x7c: {  	[sflag:s23] =	ssyncadd.s32 $0xFFFFFFB0  }
0x7d: {  	_ =	swait.ge [sflag:s23], $0x28  }
0x7e: {  	[sflag:s23] =	ssyncset.done $0x0  }
0x7f: {  	[sflag:s23] =	ssyncadd.s32 $0xFFFFFFD8  }
0x80: {  	[tilespmem:s25], [sflag:$0x1] =	stream.indirect.gather [hbm4b:s1+s24], $0x80, s3, s24, $0xb8;
	[tilespmem:$0x1B480] =	vst v63  }
0x81: {  	_ = 	snop  }
0x82: {  	[tilespmem:s26], [sflag:$0x1] =	stream.indirect.gather [hbm4b:s4+s24], $0x80, s24, s24, $0xb8;
	[tilespmem:$0x1B480] =	vst v63  }
.Ltmp3:
0x83: {  	_ = 	snop;
	(pc) =	sbr.rel .LBB2_6-.Ltmp3, $4  }
0x84: {  	s8 =	sadd.s32 $0xA, s14;
	s11 =	sadd.s32 s18, s16  }
0x85: {  	[tilespmem:s21], [sflag:$0x3] =	stream.linear.gather [hbm4b:s8+s3], $0x50, $0x38;
	[tilespmem:$0x1B480] =	vst v63  }
0x86: {  	s14 =	sadd.s32 $0x14, s14;
	s15 =	sadd.s32 $0x50, s15;
	s18 =	sadd.s32 $0xA, s18  }
0x87: {  	[tilespmem:s22], [sflag:$0x3] =	stream.linear.gather [hbm4b:s11+s3], $0x28, $0x38;
	[tilespmem:$0x1B480] =	vst v63  }
.LBB2_8:
0x88: {  	[tilespmem:$0x7B80] =	vst v0  }
0x89: {  	[tilespmem:$0x7B90] =	vst v0  }
0x8a: {  	[tilespmem:$0x7BA0] =	vst v0  }
0x8b: {  	[tilespmem:$0x7BB0] =	vst v0  }
0x8c: {  	[tilespmem:$0x7BC0] =	vst v0  }
0x8d: {  	[tilespmem:$0x7BD0] =	vst v0  }
0x8e: {  	[tilespmem:$0x7BE0] =	vst v0  }
0x8f: {  	[tilespmem:$0x7BF0] =	vst v0;
	s8 =	simm.s32 $0x0;
	s9 =	rddreg [dreg:$0x9];
	s10 =	simm.s32 $0x7B80  }
0x90: {  	[hbm4b:s9+s8] =	stream.linear.scatter [tilespmem:s10], [sflag:$0x4], $0x80, $0x38;
	[tilespmem:$0x1B480] =	vst v63  }
0x91: {  	s15 =	sadd.s32 $0x0, s2;
	_ =	swait.ge [sflag:s19], $0x80  }
0x92: {  	p0 =	sgt.u32 s15, $0xF9;
	[sflag:s19] =	ssyncset.done $0x0  }
0x93: {  	s9 =	simm.s32 @!p0 $0x5300;
	[sflag:s19] =	ssyncadd.s32 $0xFFFFFF80  }
0x94: {  	s8 =	simm.s32 @!p0 $0x5;
	p0 =	por p0, p0;
	[bflag:$0x0] =	sbarrier.arrive $0xFFFF  }
0x95: {  	[tilespmem:s9], [sflag:$0x5] =	stream.linear.gather @!p0 [spmem:s13], $0x1400, $0x38;
	[tilespmem:$0x1B480] =	vst v63  }
0x96: {  	_ =	swait.ge @!p0 [sflag:s8], $0x1400  }
0x97: {  	s18 =	sadd.s32 $0x10, s2;
	[sflag:s8] =	ssyncset.done @!p0 $0x0  }
0x98: {  	s10 =	simm.s32 @!p0 $0x0;
	[sflag:s8] =	ssyncadd.s32 @!p0 $0xFFFFEC00;
	s8 =	simm.s32 @!p0 $0x4  }
0x99: {  	[hbm4b:s17+s10] =	stream.linear.scatter @!p0 [tilespmem:s9], [sflag:$0x4], $0x1400, $0x38;
	[tilespmem:$0x1B480] =	vst v63  }
0x9a: {  	s14 =	sadd.s32 $0x2800, s17;
	s15 =	simm.s32 $0x20;
	_ =	swait.ge @!p0 [sflag:s8], $0x1400  }
0x9b: {  	p1 =	sgt.u32 s18, $0xF9;
	s18 =	sadd.s32 $0x14000, s13;
	[sflag:s8] =	ssyncset.done @!p0 $0x0  }
.LBB2_9:
0x9c: {  	s9 =	simm.s32 @!p1 $0x5300;
	s10 =	simm.s32 @!p1 $0x5;
	[sflag:s8] =	ssyncadd.s32 @!p0 $0xFFFFEC00  }
0x9d: {  	s11 =	smov.u32 s15;
	p0 =	por p1, p1;
	s15 =	sadd.s32 $0x10, s15  }
0x9e: {  	[tilespmem:s9], [sflag:$0x5] =	stream.linear.gather @!p0 [spmem:s18], $0x1400, $0x38;
	[tilespmem:$0x1B480] =	vst v63  }
0x9f: {  	p2 =	sne.s32 s15, $0x100;
	_ =	swait.ge @!p0 [sflag:s10], $0x1400  }
.Ltmp4:
0xa0: {  	[sflag:s10] =	ssyncset.done @!p0 $0x0;
	(pc) =	sbr.rel @p2 .LBB2_9-.Ltmp4, $4  }
0xa1: {  	s8 =	simm.s32 @!p0 $0x4;
	[sflag:s10] =	ssyncadd.s32 @!p0 $0xFFFFEC00;
	s10 =	simm.s32 @!p0 $0x0  }
0xa2: {  	[hbm4b:s14+s10] =	stream.linear.scatter @!p0 [tilespmem:s9], [sflag:$0x4], $0x1400, $0x38;
	[tilespmem:$0x1B480] =	vst v63  }
0xa3: {  	s9 =	sadd.s32 s11, s2;
	s14 =	sadd.s32 $0x2800, s14;
	_ =	swait.ge @!p0 [sflag:s8], $0x1400  }
0xa4: {  	s18 =	sadd.s32 $0x14000, s18;
	p1 =	sgt.u32 s9, $0xF9;
	[sflag:s8] =	ssyncset.done @!p0 $0x0  }
0xa5: {  	s9 =	simm.s32 @!p1 $0x5300  }
0xa6: {  	s10 =	simm.s32 @!p1 $0x5;
	[sflag:s8] =	ssyncadd.s32 @!p0 $0xFFFFEC00;
	p0 =	por p1, p1  }
0xa7: {  	[tilespmem:s9], [sflag:$0x5] =	stream.linear.gather @!p0 [spmem:s18], $0x1400, $0x38;
	[tilespmem:$0x1B480] =	vst v63  }
0xa8: {  	s20 =	sadd.s32 $0x1, s20;
	_ =	swait.ge @!p0 [sflag:s10], $0x1400  }
0xa9: {  	s8 =	simm.s32 @!p0 $0x0;
	p1 =	sne.s32 s20, s12;
	[sflag:s10] =	ssyncset.done @!p0 $0x0  }
.Ltmp5:
0xaa: {  	[sflag:s10] =	ssyncadd.s32 @!p0 $0xFFFFEC00;
	s10 =	simm.s32 @!p0 $0x4;
	(pc) =	sbr.rel @p1 .LBB2_1-.Ltmp5, $4  }
0xab: {  	[hbm4b:s14+s8] =	stream.linear.scatter @!p0 [tilespmem:s9], [sflag:$0x4], $0x1400, $0x38;
	[tilespmem:$0x1B480] =	vst v63  }
0xac: {  	_ =	swait.ge @!p0 [sflag:s10], $0x1400  }
0xad: {  	[sflag:s10] =	ssyncset.done @!p0 $0x0  }
0xae: {  	[sflag:s10] =	ssyncadd.s32 @!p0 $0xFFFFEC00  }
0xaf: {  	_ =	sfence.sel $0x180000  }
0xb0: {  	[bflag:$0x0] =	sbarrier.arrive $0xFFFF  }
0xb1: {  	_ =	strace $0x90000047  }
0xb2: {  	[bflag:$0x2] =	sbarrier.arrive $0xFFFF  }
0xb3: {  	p0 =	sne.s32 s2, $0x0;
	s0 =	rddreg [dreg:$0x3]  }
0xb4: {  	s0 =	sadd.s32 @!p0 $0x100000, s0  }
0xb5: {  	[sflag:s0] =	ssyncadd.tile.s32 @!p0 $0x1;
	_ =	shalt  }
.Lfunc_end2:
_tile_overlayer_lowered:
.L_overlay_start_2:
0xb6: {  	(tag) =	ssettag $0x2  }
0xb7: {  	s0 =	rddreg [dreg:$0x0];
	s2 =	stileid.u32  }
0xb8: {  	s1 =	rddreg [dreg:$0x1];
	p0 =	sne.s32 s2, $0x0  }
0xb9: {  	s3 =	rddreg [dreg:$0x2];
	[bflag:$0x3] =	sbarrier.arrive $0xFFFF;
	s2 =	simm.s32 @!p0 $0x1C04  }
0xba: {  	[timem:s3], [sflag:s2] =	dma.local @!p0 [hbm:s0], s1  }
0xbb: {  	s0 =	simm.s32 @!p0 $0x4  }
0xbc: {  	_ =	swait.ge @!p0 [sflag:s0], s1  }
0xbd: {  	s1 =	ssub.s32 @!p0 $0x0, s1;
	[sflag:s0] =	ssyncset.done @!p0 $0x0  }
0xbe: {  	[sflag:s0] =	ssyncadd.s32 @!p0 s1  }
0xbf: {  	[bflag:$0x3] =	sbarrier.arrive $0xFFFF  }
0xc0: {  	_ =	shalt  }

</sc_bundles>
